<compile_context>
chip_gen: v7x
topology: tpu7x:2x2x1
jax: 0.10.2.dev20260603
libtpu: 0.0.44.dev20260713+nightly
codegen_flags: <defaults>
</compile_context>

<pallas_src>
import functools

import jax
import jax.numpy as jnp
from jax import lax
from jax.experimental import pallas as pl
from jax.experimental.pallas import tpu as pltpu
from jax.experimental.pallas import tpu_sc as plsc

B, N, C = 8, 20000, 91
L = 16
NC, NS = 2, 16
NW = NC * NS
ST = 40
NSC = ST * 128
UPW = 2
CA, CB = 49, 42
OFFS = (0, 16, 32, 48, 64, 75)
ASTR = 96
BN = 1024
NTC = N - NSC


def _permute(g, idx):
  dn = lax.GatherDimensionNumbers(offset_dims=(), collapsed_slice_dims=(0,),
                                  start_index_map=(0,))
  return lax.gather(g, idx[:, None], dn, (1,),
                    mode=lax.GatherScatterMode.PROMISE_IN_BOUNDS)


def _sc_body(lg_hbm, pr_hbm, out_hbm,
             b0_v, b1_v, acc_v, sco_v, pr_v, at_v, semA, semB, semW):
  w = lax.axis_index("s") * NC + lax.axis_index("c")
  active = w * UPW < ST

  pltpu.sync_copy(pr_hbm.at[:, :], pr_v)

  def tab_img(img, carry):
    avecs = [1.0 + jnp.exp(-pr_v[img, pl.ds(off, L)]) for off in OFFS]

    def tab_lane(l, carry2):
      bl = jnp.broadcast_to(l, (L,))
      for j, off in enumerate(OFFS):
        at_v[pl.ds((img * ASTR + off + l) * L, L)] = _permute(avecs[j], bl)
      return carry2

    lax.fori_loop(0, L, tab_lane, 0)
    return carry

  lax.fori_loop(0, B, tab_img, 0)

  def issue(tc, buf, nclass, c0, sem):
    pltpu.async_copy(
        lg_hbm.at[pl.ds(c0, nclass), :, pl.ds(tc * 128, 128)], buf, sem)

  def wait_in(buf, nclass, sem):
    pltpu.make_async_copy(
        lg_hbm.at[pl.ds(0, nclass), :, pl.ds(0, 128)], buf, sem).wait()

  @pl.when(active)
  def _prologue():
    issue(w * UPW, b0_v, CA, 0, semA)
    issue(w * UPW, b1_v, CB, CA, semB)

  NA = 8
  inf8 = (jnp.full((L,), jnp.inf, jnp.float32),) * NA

  def make_cbody(buf, img, cbase):
    def cbody(c, accs):
      sp = at_v[pl.ds((img * ASTR + cbase + c) * L, L)]
      out = []
      for i in range(NA):
        x = buf[c, img, pl.ds(i * L, L)]
        out.append(jnp.minimum(accs[i], sp * jnp.exp(-x) + sp))
      return tuple(out)
    return cbody

  def compute_a(carry_unused):
    def grp(img, carry):
      accs = lax.fori_loop(0, CA, make_cbody(b0_v, img, 0), inf8, unroll=1)
      for i in range(NA):
        acc_v[pl.ds(img * 128 + i * L, L)] = accs[i]
      return carry
    lax.fori_loop(0, B, grp, 0)

  def compute_b(p):
    def grp(img, carry):
      init = tuple(acc_v[pl.ds(img * 128 + i * L, L)] for i in range(NA))
      accs = lax.fori_loop(0, CB, make_cbody(b1_v, img, CA), init, unroll=1)
      for i in range(NA):
        sco_v[p, img, pl.ds(i * L, L)] = 1.0 / accs[i]
      return carry
    lax.fori_loop(0, B, grp, 0)

  def ubody(k, carry):
    tc = w * UPW + k
    p = k & 1
    wait_in(b0_v, CA, semA)
    compute_a(None)

    @pl.when(k + 1 < UPW)
    def _ia():
      issue(tc + 1, b0_v, CA, 0, semA)

    wait_in(b1_v, CB, semB)
    compute_b(p)
    pltpu.async_copy(sco_v.at[p], out_hbm.at[:, pl.ds(tc * 128, 128)], semW)

    @pl.when(k + 1 < UPW)
    def _ib():
      issue(tc + 1, b1_v, CB, CA, semB)

    return carry

  @pl.when(active)
  def _run():
    lax.fori_loop(0, UPW, ubody, 0)
    for _ in range(UPW):
      pltpu.make_async_copy(sco_v.at[0], out_hbm.at[:, pl.ds(0, 128)],
                            semW).wait()


_sc_scores = functools.partial(
    pl.kernel,
    out_type=jax.ShapeDtypeStruct((B, NSC), jnp.float32),
    mesh=plsc.VectorSubcoreMesh(core_axis_name="c", subcore_axis_name="s",
                                num_cores=NC, num_subcores=NS),
    scratch_types=[
        pltpu.VMEM((CA, B, 128), jnp.float32),
        pltpu.VMEM((CB, B, 128), jnp.float32),
        pltpu.VMEM((B * 128,), jnp.float32),
        pltpu.VMEM((2, B, 128), jnp.float32),
        pltpu.VMEM((B, 128), jnp.float32),
        pltpu.VMEM((B * ASTR * L,), jnp.float32),
        pltpu.SemaphoreType.DMA,
        pltpu.SemaphoreType.DMA,
        pltpu.SemaphoreType.DMA,
    ],
    compiler_params=pltpu.CompilerParams(use_tc_tiling_on_sc=True))(_sc_body)


NG = NTC // BN + 1
BB = 128 * (-(-N // (128 * NG)))


def _tc_main_body(ts_ref, prt_ref, lg_ref, bx_ref,
                  sco_ref, box_ref, lab_ref):
  x = lg_ref[...]
  a = 1.0 + jnp.exp(-prt_ref[...][:C])
  acc = jnp.min(a[:, :, None] * jnp.exp(-x) + a[:, :, None], axis=0)
  sco_ref[...] = 1.0 / acc
  xb = bx_ref[...]
  ts = ts_ref[...].astype(jnp.float32)
  hh = ts[0][:, None, None]
  ww = ts[1][:, None, None]
  coord = lax.broadcasted_iota(jnp.int32, (B, 4, BB), 1)
  half = jnp.where(coord >= 2, 0.5, -0.5)
  cxy = jnp.concatenate([xb[:, 0:2], xb[:, 0:2]], axis=1)
  wh = jnp.concatenate([xb[:, 2:4], xb[:, 2:4]], axis=1)
  scale = jnp.where(coord % 2 == 0, ww, hh)
  box_ref[...] = (cxy + half * wh) * scale
  lab_ref[...] = jnp.ones((B, BB), jnp.int32)


def _tc_main(lgt, prt, bxt, tst):
  return pl.pallas_call(
      _tc_main_body,
      grid=(NG,),
      in_specs=[
          pl.BlockSpec((2, B), lambda j: (0, 0)),
          pl.BlockSpec((128, B), lambda j: (0, 0)),
          pl.BlockSpec((C, B, BN), lambda j: (0, 0, j + NSC // BN)),
          pl.BlockSpec((B, 4, BB), lambda j: (0, 0, j)),
      ],
      out_specs=[
          pl.BlockSpec((B, BN), lambda j: (0, j)),
          pl.BlockSpec((B, 4, BB), lambda j: (0, 0, j)),
          pl.BlockSpec((B, BB), lambda j: (0, j)),
      ],
      out_shape=[
          jax.ShapeDtypeStruct((B, NTC), jnp.float32),
          jax.ShapeDtypeStruct((B, 4, N), jnp.float32),
          jax.ShapeDtypeStruct((B, N), jnp.int32),
      ],
  )(tst, prt, lgt, bxt)


def kernel(pred_logits, pred_boxes, presence_logit_dec,
           target_sizes_boxes, target_sizes_masks):
  del target_sizes_masks
  lgt = jnp.transpose(pred_logits, (2, 0, 1))
  bxt = jnp.transpose(pred_boxes, (0, 2, 1))
  tst = jnp.transpose(target_sizes_boxes, (1, 0))
  pr_pad = jnp.pad(presence_logit_dec, ((0, 0), (0, 128 - C)))
  prt = jnp.transpose(pr_pad, (1, 0))
  sc_part = _sc_scores(lgt, pr_pad)
  tc_part, boxes_t, labels = _tc_main(lgt, prt, bxt, tst)
  scores = jnp.concatenate([sc_part, tc_part], axis=1)
  boxes = jnp.transpose(boxes_t, (0, 2, 1))
  return scores, labels, boxes

# --- scband reference (transcript-rebuilt; emitter-appended) ---
"""Pipeline reference for scband-post-process-image-5952824672688 (READ-ONLY COPY).

The authoritative reference and input builder live on the scoring server;
editing this copy changes nothing except your own understanding.
"""

import jax, jax.numpy as jnp
import numpy as np


def setup_inputs(seed: int = 0) -> dict:
    key = jax.random.key(seed)
    k1, k2, k3, k4, k5 = jax.random.split(key, 5)
    B, N, C = 8, 20000, 91
    pred_logits = jax.random.normal(k1, (B, N, C), dtype=jnp.float32)
    pred_boxes = jax.random.uniform(k2, (B, N, 4), dtype=jnp.float32)
    presence_logit_dec = jax.random.normal(k3, (B, C), dtype=jnp.float32)
    target_sizes_boxes = jax.random.randint(k4, (B, 2), 0, 1333).astype(jnp.int32)
    target_sizes_masks = jax.random.randint(k5, (B, 2), 0, 1333).astype(jnp.int32)
    return {
        'pred_logits': pred_logits,
        'pred_boxes': pred_boxes,
        'presence_logit_dec': presence_logit_dec,
        'target_sizes_boxes': target_sizes_boxes,
        'target_sizes_masks': target_sizes_masks,
    }


def reference(pred_logits, pred_boxes, presence_logit_dec, target_sizes_boxes, target_sizes_masks):
    # outputs dict = {'pred_logits', 'pred_boxes', 'presence_logit_dec'}; iou_type='bbox' so no masks.
    assert target_sizes_boxes.shape[1] == 2
    assert target_sizes_masks.shape[1] == 2
    # out_probs = sigmoid(logits) * sigmoid(presence)[:, None, :]  (use_presence=True)
    out_probs = jax.nn.sigmoid(pred_logits) * jax.nn.sigmoid(presence_logit_dec)[:, None, :]
    # scores, labels = out_probs.max(-1); forced_labels is None -> labels = ones_like(labels)
    scores = jnp.max(out_probs, axis=-1)
    labels = jnp.ones(scores.shape, dtype=jnp.int32)
    # box_cxcywh_to_xyxy
    cx, cy, w, h = jnp.split(pred_boxes, 4, axis=-1)
    boxes = jnp.concatenate([cx - 0.5 * w, cy - 0.5 * h, cx + 0.5 * w, cy + 0.5 * h], axis=-1)
    # scale to image sizes
    img_h = target_sizes_boxes[:, 0].astype(jnp.float32)
    img_w = target_sizes_boxes[:, 1].astype(jnp.float32)
    scale_fct = jnp.stack([img_w, img_h, img_w, img_h], axis=1)
    boxes = boxes * scale_fct[:, None, :]
    # detection_threshold <= 0 -> keep is None; results per image: scores, labels, boxes
    return scores, labels, boxes

if __name__ == "__main__":
    import jax
    _d = setup_inputs()
    print(jax.jit(kernel)(*tuple(_d.values())))

</pallas_src>

<mosaic_0001>
#map = affine_map<(d0, d1) -> (0, 0, 0)>
#map1 = affine_map<(d0, d1) -> (0, 0)>
module attributes {stable_mosaic.version = 14 : i64} {
  func.func @_sc_body(%arg0: i32, %arg1: i32, %arg2: memref<91x8x20000xf32, #tpu.memory_space<hbm>>, %arg3: memref<8x128xf32, #tpu.memory_space<hbm>>, %arg4: memref<8x5120xf32, #tpu.memory_space<hbm>>, %arg5: memref<49x8x128xf32, #tpu.memory_space<vmem>>, %arg6: memref<42x8x128xf32, #tpu.memory_space<vmem>>, %arg7: memref<1024xf32, #tpu.memory_space<vmem>>, %arg8: memref<2x8x128xf32, #tpu.memory_space<vmem>>, %arg9: memref<8x128xf32, #tpu.memory_space<vmem>>, %arg10: memref<12288xf32, #tpu.memory_space<vmem>>, %arg11: memref<!tpu.dma_semaphore, #tpu.memory_space<semaphore_mem>>, %arg12: memref<!tpu.dma_semaphore, #tpu.memory_space<semaphore_mem>>, %arg13: memref<!tpu.dma_semaphore, #tpu.memory_space<semaphore_mem>>) attributes {dimension_semantics = [#tpu.dimension_semantics<core_parallel>, #tpu.dimension_semantics<subcore_parallel>], iteration_bounds = array<i64: 2, 16>, scalar_prefetch = 0 : i64, scratch_operands = 9 : i64, tpu.core_type = #tpu.core_type<sc_vector_subcore>, window_params = [{transform_indices = #map}, {transform_indices = #map1}, {transform_indices = #map1}]} {
    %mul3A = arith.constant 2 : i32
    %mul3A_0 = arith.muli %arg1, %mul3A : i32
    %add3A = arith.addi %mul3A_0, %arg0 : i32
    %mul3A_1 = arith.constant 2 : i32
    %mul3A_2 = arith.muli %add3A, %mul3A_1 : i32
    %lt3A = arith.constant 40 : i32
    %lt3A_3 = arith.cmpi slt, %mul3A_2, %lt3A : i32
    "tpu.region"() ({
      %run_scoped3A = tpu.sem_alloc : memref<!tpu.dma_semaphore, #tpu.memory_space<semaphore_mem>>
      %dma_start3A = arith.constant 0 : i32
      %dma_start3A_14 = arith.constant 0 : i32
      %dma_start3A_15 = tpu.memref_slice %arg3[%dma_start3A, %dma_start3A_14] : memref<8x128xf32, #tpu.memory_space<hbm>> -> memref<8x128xf32, #tpu.memory_space<hbm>>
      %dma_start3A_16 = arith.constant 0 : i32
      %dma_start3A_17 = arith.constant 0 : i32
      %dma_start3A_18 = tpu.memref_slice %arg3[%dma_start3A_16, %dma_start3A_17] : memref<8x128xf32, #tpu.memory_space<hbm>> -> memref<8x128xf32, #tpu.memory_space<hbm>>
      tpu.enqueue_dma source(%dma_start3A_18 : memref<8x128xf32, #tpu.memory_space<hbm>>) target(%arg9 : memref<8x128xf32, #tpu.memory_space<vmem>>) target_semaphore(%run_scoped3A : memref<!tpu.dma_semaphore, #tpu.memory_space<semaphore_mem>>)
      %dma_wait3A = arith.constant 0 : i32
      %dma_wait3A_19 = arith.constant 0 : i32
      %dma_wait3A_20 = tpu.memref_slice %arg3[%dma_wait3A, %dma_wait3A_19] : memref<8x128xf32, #tpu.memory_space<hbm>> -> memref<8x128xf32, #tpu.memory_space<hbm>>
      %dma_wait3A_21 = arith.constant 0 : i32
      %dma_wait3A_22 = arith.constant 0 : i32
      %dma_wait3A_23 = tpu.memref_slice %arg3[%dma_wait3A_21, %dma_wait3A_22] : memref<8x128xf32, #tpu.memory_space<hbm>> -> memref<8x128xf32, #tpu.memory_space<hbm>>
      tpu.wait_dma2 semaphore(%run_scoped3A : memref<!tpu.dma_semaphore, #tpu.memory_space<semaphore_mem>>) src(%dma_wait3A_23 : memref<8x128xf32, #tpu.memory_space<hbm>>) dst(%arg9 : memref<8x128xf32, #tpu.memory_space<vmem>>)
      tpu.yield
    }) : () -> ()
    %scan3A = arith.constant 0 : i32
    %scan3A_4 = arith.constant 0 : i32
    %scan3A_5 = arith.constant 8 : i32
    %scan3A_6 = arith.addi %scan3A_4, %scan3A_5 : i32
    %scan3A_7 = arith.constant 1 : i32
    scf.for %scan3A_14 = %scan3A_4 to %scan3A_6 step %scan3A_7  : i32 {
      %get3A = arith.index_cast %scan3A_14 : i32 to index
      %get3A_15 = arith.constant 0 : index
      %get3A_16 = tpu.vector_load %arg9[%get3A, %get3A_15] {strides = array<i32>} : memref<8x128xf32, #tpu.memory_space<vmem>>, vector<1x16xf32>,
      %get3A_17 = vector.shape_cast %get3A_16 : vector<1x16xf32> to vector<16xf32>
      %neg3A = arith.constant 0.000000e+00 : f32
      %neg3A_18 = vector.broadcast %neg3A : f32 to vector<16xf32>
      %neg3A_19 = arith.subf %neg3A_18, %get3A_17 : vector<16xf32>
      %exp3A = math.exp %neg3A_19 : vector<16xf32>
      %add3A_20 = arith.constant 1.000000e+00 : f32
      %add3A_21 = vector.broadcast %add3A_20 : f32 to vector<16xf32>
      %add3A_22 = arith.addf %add3A_21, %exp3A : vector<16xf32>
      %get3A_23 = arith.index_cast %scan3A_14 : i32 to index
      %get3A_24 = arith.constant 16 : index
      %get3A_25 = tpu.vector_load %arg9[%get3A_23, %get3A_24] {strides = array<i32>} : memref<8x128xf32, #tpu.memory_space<vmem>>, vector<1x16xf32>,
      %get3A_26 = vector.shape_cast %get3A_25 : vector<1x16xf32> to vector<16xf32>
      %neg3A_27 = arith.constant 0.000000e+00 : f32
      %neg3A_28 = vector.broadcast %neg3A_27 : f32 to vector<16xf32>
      %neg3A_29 = arith.subf %neg3A_28, %get3A_26 : vector<16xf32>
      %exp3A_30 = math.exp %neg3A_29 : vector<16xf32>
      %add3A_31 = arith.constant 1.000000e+00 : f32
      %add3A_32 = vector.broadcast %add3A_31 : f32 to vector<16xf32>
      %add3A_33 = arith.addf %add3A_32, %exp3A_30 : vector<16xf32>
      %get3A_34 = arith.index_cast %scan3A_14 : i32 to index
      %get3A_35 = arith.constant 32 : index
      %get3A_36 = tpu.vector_load %arg9[%get3A_34, %get3A_35] {strides = array<i32>} : memref<8x128xf32, #tpu.memory_space<vmem>>, vector<1x16xf32>,
      %get3A_37 = vector.shape_cast %get3A_36 : vector<1x16xf32> to vector<16xf32>
      %neg3A_38 = arith.constant 0.000000e+00 : f32
      %neg3A_39 = vector.broadcast %neg3A_38 : f32 to vector<16xf32>
      %neg3A_40 = arith.subf %neg3A_39, %get3A_37 : vector<16xf32>
      %exp3A_41 = math.exp %neg3A_40 : vector<16xf32>
      %add3A_42 = arith.constant 1.000000e+00 : f32
      %add3A_43 = vector.broadcast %add3A_42 : f32 to vector<16xf32>
      %add3A_44 = arith.addf %add3A_43, %exp3A_41 : vector<16xf32>
      %get3A_45 = arith.index_cast %scan3A_14 : i32 to index
      %get3A_46 = arith.constant 48 : index
      %get3A_47 = tpu.vector_load %arg9[%get3A_45, %get3A_46] {strides = array<i32>} : memref<8x128xf32, #tpu.memory_space<vmem>>, vector<1x16xf32>,
      %get3A_48 = vector.shape_cast %get3A_47 : vector<1x16xf32> to vector<16xf32>
      %neg3A_49 = arith.constant 0.000000e+00 : f32
      %neg3A_50 = vector.broadcast %neg3A_49 : f32 to vector<16xf32>
      %neg3A_51 = arith.subf %neg3A_50, %get3A_48 : vector<16xf32>
      %exp3A_52 = math.exp %neg3A_51 : vector<16xf32>
      %add3A_53 = arith.constant 1.000000e+00 : f32
      %add3A_54 = vector.broadcast %add3A_53 : f32 to vector<16xf32>
      %add3A_55 = arith.addf %add3A_54, %exp3A_52 : vector<16xf32>
      %get3A_56 = arith.index_cast %scan3A_14 : i32 to index
      %get3A_57 = arith.constant 64 : index
      %get3A_58 = tpu.vector_load %arg9[%get3A_56, %get3A_57] {strides = array<i32>} : memref<8x128xf32, #tpu.memory_space<vmem>>, vector<1x16xf32>,
      %get3A_59 = vector.shape_cast %get3A_58 : vector<1x16xf32> to vector<16xf32>
      %neg3A_60 = arith.constant 0.000000e+00 : f32
      %neg3A_61 = vector.broadcast %neg3A_60 : f32 to vector<16xf32>
      %neg3A_62 = arith.subf %neg3A_61, %get3A_59 : vector<16xf32>
      %exp3A_63 = math.exp %neg3A_62 : vector<16xf32>
      %add3A_64 = arith.constant 1.000000e+00 : f32
      %add3A_65 = vector.broadcast %add3A_64 : f32 to vector<16xf32>
      %add3A_66 = arith.addf %add3A_65, %exp3A_63 : vector<16xf32>
      %get3A_67 = arith.index_cast %scan3A_14 : i32 to index
      %get3A_68 = arith.constant 75 : index
      %get3A_69 = tpu.vector_load %arg9[%get3A_67, %get3A_68] {strides = array<i32>} : memref<8x128xf32, #tpu.memory_space<vmem>>, vector<1x16xf32>,
      %get3A_70 = vector.shape_cast %get3A_69 : vector<1x16xf32> to vector<16xf32>
      %neg3A_71 = arith.constant 0.000000e+00 : f32
      %neg3A_72 = vector.broadcast %neg3A_71 : f32 to vector<16xf32>
      %neg3A_73 = arith.subf %neg3A_72, %get3A_70 : vector<16xf32>
      %exp3A_74 = math.exp %neg3A_73 : vector<16xf32>
      %add3A_75 = arith.constant 1.000000e+00 : f32
      %add3A_76 = vector.broadcast %add3A_75 : f32 to vector<16xf32>
      %add3A_77 = arith.addf %add3A_76, %exp3A_74 : vector<16xf32>
      %scan3A_78 = arith.constant 0 : i32
      %scan3A_79 = arith.constant 0 : i32
      %scan3A_80 = arith.constant 16 : i32
      %scan3A_81 = arith.addi %scan3A_79, %scan3A_80 : i32
      %scan3A_82 = arith.constant 1 : i32
      scf.for %scan3A_84 = %scan3A_79 to %scan3A_81 step %scan3A_82  : i32 {
        %broadcast_in_dim3A_85 = vector.broadcast %scan3A_84 : i32 to vector<16xi32>
        %broadcast_in_dim3A_86 = vector.shape_cast %broadcast_in_dim3A_85 : vector<16xi32> to vector<16x1xi32>
        %gather3A = vector.shape_cast %broadcast_in_dim3A_86 : vector<16x1xi32> to vector<16xi32>
        %gather3A_87 = tpu.dynamic_gather %add3A_22[%gather3A] in [0] : vector<16xf32>, vector<16xi32> -> vector<16xf32>
        %mul3A_88 = arith.constant 96 : i32
        %mul3A_89 = arith.muli %scan3A_14, %mul3A_88 : i32
        %add3A_90 = arith.constant 0 : i32
        %add3A_91 = arith.addi %mul3A_89, %add3A_90 : i32
        %add3A_92 = arith.addi %add3A_91, %scan3A_84 : i32
        %mul3A_93 = arith.constant 16 : i32
        %mul3A_94 = arith.muli %add3A_92, %mul3A_93 : i32
        %swap3A = arith.index_cast %mul3A_94 : i32 to index
        %swap3A_95 = tpu.vector_load %arg10[%swap3A] {strides = array<i32>} : memref<12288xf32, #tpu.memory_space<vmem>>, vector<16xf32>,
        %swap3A_96 = vector.shape_cast %swap3A_95 : vector<16xf32> to vector<16xf32>
        %swap3A_97 = vector.shape_cast %gather3A_87 : vector<16xf32> to vector<16xf32>
        tpu.vector_store %arg10[%swap3A], %swap3A_97 {strides = array<i32>} : memref<12288xf32, #tpu.memory_space<vmem>>, vector<16xf32>,
        %broadcast_in_dim3A_98 = vector.shape_cast %broadcast_in_dim3A_85 : vector<16xi32> to vector<16x1xi32>
        %gather3A_99 = vector.shape_cast %broadcast_in_dim3A_98 : vector<16x1xi32> to vector<16xi32>
        %gather3A_100 = tpu.dynamic_gather %add3A_33[%gather3A_99] in [0] : vector<16xf32>, vector<16xi32> -> vector<16xf32>
        %mul3A_101 = arith.constant 96 : i32
        %mul3A_102 = arith.muli %scan3A_14, %mul3A_101 : i32
        %add3A_103 = arith.constant 16 : i32
        %add3A_104 = arith.addi %mul3A_102, %add3A_103 : i32
        %add3A_105 = arith.addi %add3A_104, %scan3A_84 : i32
        %mul3A_106 = arith.constant 16 : i32
        %mul3A_107 = arith.muli %add3A_105, %mul3A_106 : i32
        %swap3A_108 = arith.index_cast %mul3A_107 : i32 to index
        %swap3A_109 = tpu.vector_load %arg10[%swap3A_108] {strides = array<i32>} : memref<12288xf32, #tpu.memory_space<vmem>>, vector<16xf32>,
        %swap3A_110 = vector.shape_cast %swap3A_109 : vector<16xf32> to vector<16xf32>
        %swap3A_111 = vector.shape_cast %gather3A_100 : vector<16xf32> to vector<16xf32>
        tpu.vector_store %arg10[%swap3A_108], %swap3A_111 {strides = array<i32>} : memref<12288xf32, #tpu.memory_space<vmem>>, vector<16xf32>,
        %broadcast_in_dim3A_112 = vector.shape_cast %broadcast_in_dim3A_85 : vector<16xi32> to vector<16x1xi32>
        %gather3A_113 = vector.shape_cast %broadcast_in_dim3A_112 : vector<16x1xi32> to vector<16xi32>
        %gather3A_114 = tpu.dynamic_gather %add3A_44[%gather3A_113] in [0] : vector<16xf32>, vector<16xi32> -> vector<16xf32>
        %mul3A_115 = arith.constant 96 : i32
        %mul3A_116 = arith.muli %scan3A_14, %mul3A_115 : i32
        %add3A_117 = arith.constant 32 : i32
        %add3A_118 = arith.addi %mul3A_116, %add3A_117 : i32
        %add3A_119 = arith.addi %add3A_118, %scan3A_84 : i32
        %mul3A_120 = arith.constant 16 : i32
        %mul3A_121 = arith.muli %add3A_119, %mul3A_120 : i32
        %swap3A_122 = arith.index_cast %mul3A_121 : i32 to index
        %swap3A_123 = tpu.vector_load %arg10[%swap3A_122] {strides = array<i32>} : memref<12288xf32, #tpu.memory_space<vmem>>, vector<16xf32>,
        %swap3A_124 = vector.shape_cast %swap3A_123 : vector<16xf32> to vector<16xf32>
        %swap3A_125 = vector.shape_cast %gather3A_114 : vector<16xf32> to vector<16xf32>
        tpu.vector_store %arg10[%swap3A_122], %swap3A_125 {strides = array<i32>} : memref<12288xf32, #tpu.memory_space<vmem>>, vector<16xf32>,
        %broadcast_in_dim3A_126 = vector.shape_cast %broadcast_in_dim3A_85 : vector<16xi32> to vector<16x1xi32>
        %gather3A_127 = vector.shape_cast %broadcast_in_dim3A_126 : vector<16x1xi32> to vector<16xi32>
        %gather3A_128 = tpu.dynamic_gather %add3A_55[%gather3A_127] in [0] : vector<16xf32>, vector<16xi32> -> vector<16xf32>
        %mul3A_129 = arith.constant 96 : i32
        %mul3A_130 = arith.muli %scan3A_14, %mul3A_129 : i32
        %add3A_131 = arith.constant 48 : i32
        %add3A_132 = arith.addi %mul3A_130, %add3A_131 : i32
        %add3A_133 = arith.addi %add3A_132, %scan3A_84 : i32
        %mul3A_134 = arith.constant 16 : i32
        %mul3A_135 = arith.muli %add3A_133, %mul3A_134 : i32
        %swap3A_136 = arith.index_cast %mul3A_135 : i32 to index
        %swap3A_137 = tpu.vector_load %arg10[%swap3A_136] {strides = array<i32>} : memref<12288xf32, #tpu.memory_space<vmem>>, vector<16xf32>,
        %swap3A_138 = vector.shape_cast %swap3A_137 : vector<16xf32> to vector<16xf32>
        %swap3A_139 = vector.shape_cast %gather3A_128 : vector<16xf32> to vector<16xf32>
        tpu.vector_store %arg10[%swap3A_136], %swap3A_139 {strides = array<i32>} : memref<12288xf32, #tpu.memory_space<vmem>>, vector<16xf32>,
        %broadcast_in_dim3A_140 = vector.shape_cast %broadcast_in_dim3A_85 : vector<16xi32> to vector<16x1xi32>
        %gather3A_141 = vector.shape_cast %broadcast_in_dim3A_140 : vector<16x1xi32> to vector<16xi32>
        %gather3A_142 = tpu.dynamic_gather %add3A_66[%gather3A_141] in [0] : vector<16xf32>, vector<16xi32> -> vector<16xf32>
        %mul3A_143 = arith.constant 96 : i32
        %mul3A_144 = arith.muli %scan3A_14, %mul3A_143 : i32
        %add3A_145 = arith.constant 64 : i32
        %add3A_146 = arith.addi %mul3A_144, %add3A_145 : i32
        %add3A_147 = arith.addi %add3A_146, %scan3A_84 : i32
        %mul3A_148 = arith.constant 16 : i32
        %mul3A_149 = arith.muli %add3A_147, %mul3A_148 : i32
        %swap3A_150 = arith.index_cast %mul3A_149 : i32 to index
        %swap3A_151 = tpu.vector_load %arg10[%swap3A_150] {strides = array<i32>} : memref<12288xf32, #tpu.memory_space<vmem>>, vector<16xf32>,
        %swap3A_152 = vector.shape_cast %swap3A_151 : vector<16xf32> to vector<16xf32>
        %swap3A_153 = vector.shape_cast %gather3A_142 : vector<16xf32> to vector<16xf32>
        tpu.vector_store %arg10[%swap3A_150], %swap3A_153 {strides = array<i32>} : memref<12288xf32, #tpu.memory_space<vmem>>, vector<16xf32>,
        %broadcast_in_dim3A_154 = vector.shape_cast %broadcast_in_dim3A_85 : vector<16xi32> to vector<16x1xi32>
        %gather3A_155 = vector.shape_cast %broadcast_in_dim3A_154 : vector<16x1xi32> to vector<16xi32>
        %gather3A_156 = tpu.dynamic_gather %add3A_77[%gather3A_155] in [0] : vector<16xf32>, vector<16xi32> -> vector<16xf32>
        %mul3A_157 = arith.constant 96 : i32
        %mul3A_158 = arith.muli %scan3A_14, %mul3A_157 : i32
        %add3A_159 = arith.constant 75 : i32
        %add3A_160 = arith.addi %mul3A_158, %add3A_159 : i32
        %add3A_161 = arith.addi %add3A_160, %scan3A_84 : i32
        %mul3A_162 = arith.constant 16 : i32
        %mul3A_163 = arith.muli %add3A_161, %mul3A_162 : i32
        %swap3A_164 = arith.index_cast %mul3A_163 : i32 to index
        %swap3A_165 = tpu.vector_load %arg10[%swap3A_164] {strides = array<i32>} : memref<12288xf32, #tpu.memory_space<vmem>>, vector<16xf32>,
        %swap3A_166 = vector.shape_cast %swap3A_165 : vector<16xf32> to vector<16xf32>
        %swap3A_167 = vector.shape_cast %gather3A_156 : vector<16xf32> to vector<16xf32>
        tpu.vector_store %arg10[%swap3A_164], %swap3A_167 {strides = array<i32>} : memref<12288xf32, #tpu.memory_space<vmem>>, vector<16xf32>,
      }
      %scan3A_83 = arith.constant 16 : i32
    }
    %scan3A_8 = arith.constant 8 : i32
    %convert_element_type3A = arith.extui %lt3A_3 : i1 to i32
    %cond3A = arith.constant 0 : i32
    %cond3A_9 = arith.cmpi ne, %convert_element_type3A, %cond3A : i32
    scf.if %cond3A_9 {
      %mul3A_14 = arith.constant 2 : i32
      %mul3A_15 = arith.muli %add3A, %mul3A_14 : i32
      %mul3A_16 = arith.constant 128 : i32
      %mul3A_17 = arith.muli %mul3A_15, %mul3A_16 : i32
      %dma_start3A = arith.constant 0 : i32
      %dma_start3A_18 = arith.constant 0 : i32
      %dma_start3A_19 = tpu.memref_slice %arg2[%dma_start3A, %dma_start3A_18, %mul3A_17] : memref<91x8x20000xf32, #tpu.memory_space<hbm>> -> memref<49x8x128xf32, #tpu.memory_space<hbm>>
      %dma_start3A_20 = arith.constant 0 : i32
      %dma_start3A_21 = arith.constant 0 : i32
      %dma_start3A_22 = tpu.memref_slice %arg2[%dma_start3A_20, %dma_start3A_21, %mul3A_17] : memref<91x8x20000xf32, #tpu.memory_space<hbm>> -> memref<49x8x128xf32, #tpu.memory_space<hbm>>
      tpu.enqueue_dma source(%dma_start3A_22 : memref<49x8x128xf32, #tpu.memory_space<hbm>>) target(%arg5 : memref<49x8x128xf32, #tpu.memory_space<vmem>>) target_semaphore(%arg11 : memref<!tpu.dma_semaphore, #tpu.memory_space<semaphore_mem>>)
      %mul3A_23 = arith.constant 2 : i32
      %mul3A_24 = arith.muli %add3A, %mul3A_23 : i32
      %mul3A_25 = arith.constant 128 : i32
      %mul3A_26 = arith.muli %mul3A_24, %mul3A_25 : i32
      %dma_start3A_27 = arith.constant 49 : i32
      %dma_start3A_28 = arith.constant 0 : i32
      %dma_start3A_29 = tpu.memref_slice %arg2[%dma_start3A_27, %dma_start3A_28, %mul3A_26] : memref<91x8x20000xf32, #tpu.memory_space<hbm>> -> memref<42x8x128xf32, #tpu.memory_space<hbm>>
      %dma_start3A_30 = arith.constant 49 : i32
      %dma_start3A_31 = arith.constant 0 : i32
      %dma_start3A_32 = tpu.memref_slice %arg2[%dma_start3A_30, %dma_start3A_31, %mul3A_26] : memref<91x8x20000xf32, #tpu.memory_space<hbm>> -> memref<42x8x128xf32, #tpu.memory_space<hbm>>
      tpu.enqueue_dma source(%dma_start3A_32 : memref<42x8x128xf32, #tpu.memory_space<hbm>>) target(%arg6 : memref<42x8x128xf32, #tpu.memory_space<vmem>>) target_semaphore(%arg12 : memref<!tpu.dma_semaphore, #tpu.memory_space<semaphore_mem>>)
    } else {
    }
    %broadcast_in_dim3A = arith.constant 0x7F800000 : f32
    %broadcast_in_dim3A_10 = vector.broadcast %broadcast_in_dim3A : f32 to vector<16xf32>
    %convert_element_type3A_11 = arith.extui %lt3A_3 : i1 to i32
    %cond3A_12 = arith.constant 0 : i32
    %cond3A_13 = arith.cmpi ne, %convert_element_type3A_11, %cond3A_12 : i32
    scf.if %cond3A_13 {
      %scan3A_14 = arith.constant 0 : i32
      %scan3A_15 = arith.constant 0 : i32
      %scan3A_16 = arith.constant 2 : i32
      %scan3A_17 = arith.addi %scan3A_15, %scan3A_16 : i32
      %scan3A_18 = arith.constant 1 : i32
      scf.for %scan3A_49 = %scan3A_15 to %scan3A_17 step %scan3A_18  : i32 {
        %mul3A_50 = arith.constant 2 : i32
        %mul3A_51 = arith.muli %add3A, %mul3A_50 : i32
        %add3A_52 = arith.addi %mul3A_51, %scan3A_49 : i32
        %and3A = arith.constant 1 : i32
        %and3A_53 = arith.andi %scan3A_49, %and3A : i32
        %dma_wait3A_54 = arith.constant 0 : i32
        %dma_wait3A_55 = arith.constant 0 : i32
        %dma_wait3A_56 = arith.constant 0 : i32
        %dma_wait3A_57 = tpu.memref_slice %arg2[%dma_wait3A_54, %dma_wait3A_55, %dma_wait3A_56] : memref<91x8x20000xf32, #tpu.memory_space<hbm>> -> memref<49x8x128xf32, #tpu.memory_space<hbm>>
        %dma_wait3A_58 = arith.constant 0 : i32
        %dma_wait3A_59 = arith.constant 0 : i32
        %dma_wait3A_60 = arith.constant 0 : i32
        %dma_wait3A_61 = tpu.memref_slice %arg2[%dma_wait3A_58, %dma_wait3A_59, %dma_wait3A_60] : memref<91x8x20000xf32, #tpu.memory_space<hbm>> -> memref<49x8x128xf32, #tpu.memory_space<hbm>>
        tpu.wait_dma2 semaphore(%arg11 : memref<!tpu.dma_semaphore, #tpu.memory_space<semaphore_mem>>) src(%dma_wait3A_61 : memref<49x8x128xf32, #tpu.memory_space<hbm>>) dst(%arg5 : memref<49x8x128xf32, #tpu.memory_space<vmem>>)
        %scan3A_62 = arith.constant 0 : i32
        %scan3A_63 = arith.constant 0 : i32
        %scan3A_64 = arith.constant 8 : i32
        %scan3A_65 = arith.addi %scan3A_63, %scan3A_64 : i32
        %scan3A_66 = arith.constant 1 : i32
        scf.for %scan3A_109 = %scan3A_63 to %scan3A_65 step %scan3A_66  : i32 {
          %scan3A_110 = arith.constant 0 : i32
          %scan3A_111 = arith.constant 49 : i32
          %scan3A_112 = arith.addi %scan3A_110, %scan3A_111 : i32
          %scan3A_113 = arith.constant 1 : i32
          %scan3A_114:8 = scf.for %scan3A_179 = %scan3A_110 to %scan3A_112 step %scan3A_113 iter_args(%scan3A_180 = %broadcast_in_dim3A_10, %scan3A_181 = %broadcast_in_dim3A_10, %scan3A_182 = %broadcast_in_dim3A_10, %scan3A_183 = %broadcast_in_dim3A_10, %scan3A_184 = %broadcast_in_dim3A_10, %scan3A_185 = %broadcast_in_dim3A_10, %scan3A_186 = %broadcast_in_dim3A_10, %scan3A_187 = %broadcast_in_dim3A_10) -> (vector<16xf32>, vector<16xf32>, vector<16xf32>, vector<16xf32>, vector<16xf32>, vector<16xf32>, vector<16xf32>, vector<16xf32>)  : i32 {
            %mul3A_188 = arith.constant 96 : i32
            %mul3A_189 = arith.muli %scan3A_109, %mul3A_188 : i32
            %add3A_190 = arith.constant 0 : i32
            %add3A_191 = arith.addi %mul3A_189, %add3A_190 : i32
            %add3A_192 = arith.addi %add3A_191, %scan3A_179 : i32
            %mul3A_193 = arith.constant 16 : i32
            %mul3A_194 = arith.muli %add3A_192, %mul3A_193 : i32
            %get3A = arith.index_cast %mul3A_194 : i32 to index
            %get3A_195 = tpu.vector_load %arg10[%get3A] {strides = array<i32>} : memref<12288xf32, #tpu.memory_space<vmem>>, vector<16xf32>,
            %get3A_196 = vector.shape_cast %get3A_195 : vector<16xf32> to vector<16xf32>
            %get3A_197 = arith.index_cast %scan3A_179 : i32 to index
            %get3A_198 = arith.index_cast %scan3A_109 : i32 to index
            %get3A_199 = arith.constant 0 : index
            %get3A_200 = tpu.vector_load %arg5[%get3A_197, %get3A_198, %get3A_199] {strides = array<i32>} : memref<49x8x128xf32, #tpu.memory_space<vmem>>, vector<1x1x16xf32>,
            %get3A_201 = vector.shape_cast %get3A_200 : vector<1x1x16xf32> to vector<16xf32>
            %neg3A = arith.constant 0.000000e+00 : f32
            %neg3A_202 = vector.broadcast %neg3A : f32 to vector<16xf32>
            %neg3A_203 = arith.subf %neg3A_202, %get3A_201 : vector<16xf32>
            %exp3A = math.exp %neg3A_203 : vector<16xf32>
            %mul3A_204 = arith.mulf %get3A_196, %exp3A : vector<16xf32>
            %add3A_205 = arith.addf %mul3A_204, %get3A_196 : vector<16xf32>
            %min3A = arith.minimumf %scan3A_180, %add3A_205 : vector<16xf32>
            %get3A_206 = arith.index_cast %scan3A_179 : i32 to index
            %get3A_207 = arith.index_cast %scan3A_109 : i32 to index
            %get3A_208 = arith.constant 16 : index
            %get3A_209 = tpu.vector_load %arg5[%get3A_206, %get3A_207, %get3A_208] {strides = array<i32>} : memref<49x8x128xf32, #tpu.memory_space<vmem>>, vector<1x1x16xf32>,
            %get3A_210 = vector.shape_cast %get3A_209 : vector<1x1x16xf32> to vector<16xf32>
            %neg3A_211 = arith.constant 0.000000e+00 : f32
            %neg3A_212 = vector.broadcast %neg3A_211 : f32 to vector<16xf32>
            %neg3A_213 = arith.subf %neg3A_212, %get3A_210 : vector<16xf32>
            %exp3A_214 = math.exp %neg3A_213 : vector<16xf32>
            %mul3A_215 = arith.mulf %get3A_196, %exp3A_214 : vector<16xf32>
            %add3A_216 = arith.addf %mul3A_215, %get3A_196 : vector<16xf32>
            %min3A_217 = arith.minimumf %scan3A_181, %add3A_216 : vector<16xf32>
            %get3A_218 = arith.index_cast %scan3A_179 : i32 to index
            %get3A_219 = arith.index_cast %scan3A_109 : i32 to index
            %get3A_220 = arith.constant 32 : index
            %get3A_221 = tpu.vector_load %arg5[%get3A_218, %get3A_219, %get3A_220] {strides = array<i32>} : memref<49x8x128xf32, #tpu.memory_space<vmem>>, vector<1x1x16xf32>,
            %get3A_222 = vector.shape_cast %get3A_221 : vector<1x1x16xf32> to vector<16xf32>
            %neg3A_223 = arith.constant 0.000000e+00 : f32
            %neg3A_224 = vector.broadcast %neg3A_223 : f32 to vector<16xf32>
            %neg3A_225 = arith.subf %neg3A_224, %get3A_222 : vector<16xf32>
            %exp3A_226 = math.exp %neg3A_225 : vector<16xf32>
            %mul3A_227 = arith.mulf %get3A_196, %exp3A_226 : vector<16xf32>
            %add3A_228 = arith.addf %mul3A_227, %get3A_196 : vector<16xf32>
            %min3A_229 = arith.minimumf %scan3A_182, %add3A_228 : vector<16xf32>
            %get3A_230 = arith.index_cast %scan3A_179 : i32 to index
            %get3A_231 = arith.index_cast %scan3A_109 : i32 to index
            %get3A_232 = arith.constant 48 : index
            %get3A_233 = tpu.vector_load %arg5[%get3A_230, %get3A_231, %get3A_232] {strides = array<i32>} : memref<49x8x128xf32, #tpu.memory_space<vmem>>, vector<1x1x16xf32>,
            %get3A_234 = vector.shape_cast %get3A_233 : vector<1x1x16xf32> to vector<16xf32>
            %neg3A_235 = arith.constant 0.000000e+00 : f32
            %neg3A_236 = vector.broadcast %neg3A_235 : f32 to vector<16xf32>
            %neg3A_237 = arith.subf %neg3A_236, %get3A_234 : vector<16xf32>
            %exp3A_238 = math.exp %neg3A_237 : vector<16xf32>
            %mul3A_239 = arith.mulf %get3A_196, %exp3A_238 : vector<16xf32>
            %add3A_240 = arith.addf %mul3A_239, %get3A_196 : vector<16xf32>
            %min3A_241 = arith.minimumf %scan3A_183, %add3A_240 : vector<16xf32>
            %get3A_242 = arith.index_cast %scan3A_179 : i32 to index
            %get3A_243 = arith.index_cast %scan3A_109 : i32 to index
            %get3A_244 = arith.constant 64 : index
            %get3A_245 = tpu.vector_load %arg5[%get3A_242, %get3A_243, %get3A_244] {strides = array<i32>} : memref<49x8x128xf32, #tpu.memory_space<vmem>>, vector<1x1x16xf32>,
            %get3A_246 = vector.shape_cast %get3A_245 : vector<1x1x16xf32> to vector<16xf32>
            %neg3A_247 = arith.constant 0.000000e+00 : f32
            %neg3A_248 = vector.broadcast %neg3A_247 : f32 to vector<16xf32>
            %neg3A_249 = arith.subf %neg3A_248, %get3A_246 : vector<16xf32>
            %exp3A_250 = math.exp %neg3A_249 : vector<16xf32>
            %mul3A_251 = arith.mulf %get3A_196, %exp3A_250 : vector<16xf32>
            %add3A_252 = arith.addf %mul3A_251, %get3A_196 : vector<16xf32>
            %min3A_253 = arith.minimumf %scan3A_184, %add3A_252 : vector<16xf32>
            %get3A_254 = arith.index_cast %scan3A_179 : i32 to index
            %get3A_255 = arith.index_cast %scan3A_109 : i32 to index
            %get3A_256 = arith.constant 80 : index
            %get3A_257 = tpu.vector_load %arg5[%get3A_254, %get3A_255, %get3A_256] {strides = array<i32>} : memref<49x8x128xf32, #tpu.memory_space<vmem>>, vector<1x1x16xf32>,
            %get3A_258 = vector.shape_cast %get3A_257 : vector<1x1x16xf32> to vector<16xf32>
            %neg3A_259 = arith.constant 0.000000e+00 : f32
            %neg3A_260 = vector.broadcast %neg3A_259 : f32 to vector<16xf32>
            %neg3A_261 = arith.subf %neg3A_260, %get3A_258 : vector<16xf32>
            %exp3A_262 = math.exp %neg3A_261 : vector<16xf32>
            %mul3A_263 = arith.mulf %get3A_196, %exp3A_262 : vector<16xf32>
            %add3A_264 = arith.addf %mul3A_263, %get3A_196 : vector<16xf32>
            %min3A_265 = arith.minimumf %scan3A_185, %add3A_264 : vector<16xf32>
            %get3A_266 = arith.index_cast %scan3A_179 : i32 to index
            %get3A_267 = arith.index_cast %scan3A_109 : i32 to index
            %get3A_268 = arith.constant 96 : index
            %get3A_269 = tpu.vector_load %arg5[%get3A_266, %get3A_267, %get3A_268] {strides = array<i32>} : memref<49x8x128xf32, #tpu.memory_space<vmem>>, vector<1x1x16xf32>,
            %get3A_270 = vector.shape_cast %get3A_269 : vector<1x1x16xf32> to vector<16xf32>
            %neg3A_271 = arith.constant 0.000000e+00 : f32
            %neg3A_272 = vector.broadcast %neg3A_271 : f32 to vector<16xf32>
            %neg3A_273 = arith.subf %neg3A_272, %get3A_270 : vector<16xf32>
            %exp3A_274 = math.exp %neg3A_273 : vector<16xf32>
            %mul3A_275 = arith.mulf %get3A_196, %exp3A_274 : vector<16xf32>
            %add3A_276 = arith.addf %mul3A_275, %get3A_196 : vector<16xf32>
            %min3A_277 = arith.minimumf %scan3A_186, %add3A_276 : vector<16xf32>
            %get3A_278 = arith.index_cast %scan3A_179 : i32 to index
            %get3A_279 = arith.index_cast %scan3A_109 : i32 to index
            %get3A_280 = arith.constant 112 : index
            %get3A_281 = tpu.vector_load %arg5[%get3A_278, %get3A_279, %get3A_280] {strides = array<i32>} : memref<49x8x128xf32, #tpu.memory_space<vmem>>, vector<1x1x16xf32>,
            %get3A_282 = vector.shape_cast %get3A_281 : vector<1x1x16xf32> to vector<16xf32>
            %neg3A_283 = arith.constant 0.000000e+00 : f32
            %neg3A_284 = vector.broadcast %neg3A_283 : f32 to vector<16xf32>
            %neg3A_285 = arith.subf %neg3A_284, %get3A_282 : vector<16xf32>
            %exp3A_286 = math.exp %neg3A_285 : vector<16xf32>
            %mul3A_287 = arith.mulf %get3A_196, %exp3A_286 : vector<16xf32>
            %add3A_288 = arith.addf %mul3A_287, %get3A_196 : vector<16xf32>
            %min3A_289 = arith.minimumf %scan3A_187, %add3A_288 : vector<16xf32>
            scf.yield %min3A, %min3A_217, %min3A_229, %min3A_241, %min3A_253, %min3A_265, %min3A_277, %min3A_289 : vector<16xf32>, vector<16xf32>, vector<16xf32>, vector<16xf32>, vector<16xf32>, vector<16xf32>, vector<16xf32>, vector<16xf32>
          }
          %scan3A_115 = arith.constant 49 : i32
          %mul3A_116 = arith.constant 128 : i32
          %mul3A_117 = arith.muli %scan3A_109, %mul3A_116 : i32
          %add3A_118 = arith.constant 0 : i32
          %add3A_119 = arith.addi %mul3A_117, %add3A_118 : i32
          %swap3A = arith.index_cast %add3A_119 : i32 to index
          %swap3A_120 = tpu.vector_load %arg7[%swap3A] {strides = array<i32>} : memref<1024xf32, #tpu.memory_space<vmem>>, vector<16xf32>,
          %swap3A_121 = vector.shape_cast %swap3A_120 : vector<16xf32> to vector<16xf32>
          %swap3A_122 = vector.shape_cast %scan3A_114#0 : vector<16xf32> to vector<16xf32>
          tpu.vector_store %arg7[%swap3A], %swap3A_122 {strides = array<i32>} : memref<1024xf32, #tpu.memory_space<vmem>>, vector<16xf32>,
          %mul3A_123 = arith.constant 128 : i32
          %mul3A_124 = arith.muli %scan3A_109, %mul3A_123 : i32
          %add3A_125 = arith.constant 16 : i32
          %add3A_126 = arith.addi %mul3A_124, %add3A_125 : i32
          %swap3A_127 = arith.index_cast %add3A_126 : i32 to index
          %swap3A_128 = tpu.vector_load %arg7[%swap3A_127] {strides = array<i32>} : memref<1024xf32, #tpu.memory_space<vmem>>, vector<16xf32>,
          %swap3A_129 = vector.shape_cast %swap3A_128 : vector<16xf32> to vector<16xf32>
          %swap3A_130 = vector.shape_cast %scan3A_114#1 : vector<16xf32> to vector<16xf32>
          tpu.vector_store %arg7[%swap3A_127], %swap3A_130 {strides = array<i32>} : memref<1024xf32, #tpu.memory_space<vmem>>, vector<16xf32>,
          %mul3A_131 = arith.constant 128 : i32
          %mul3A_132 = arith.muli %scan3A_109, %mul3A_131 : i32
          %add3A_133 = arith.constant 32 : i32
          %add3A_134 = arith.addi %mul3A_132, %add3A_133 : i32
          %swap3A_135 = arith.index_cast %add3A_134 : i32 to index
          %swap3A_136 = tpu.vector_load %arg7[%swap3A_135] {strides = array<i32>} : memref<1024xf32, #tpu.memory_space<vmem>>, vector<16xf32>,
          %swap3A_137 = vector.shape_cast %swap3A_136 : vector<16xf32> to vector<16xf32>
          %swap3A_138 = vector.shape_cast %scan3A_114#2 : vector<16xf32> to vector<16xf32>
          tpu.vector_store %arg7[%swap3A_135], %swap3A_138 {strides = array<i32>} : memref<1024xf32, #tpu.memory_space<vmem>>, vector<16xf32>,
          %mul3A_139 = arith.constant 128 : i32
          %mul3A_140 = arith.muli %scan3A_109, %mul3A_139 : i32
          %add3A_141 = arith.constant 48 : i32
          %add3A_142 = arith.addi %mul3A_140, %add3A_141 : i32
          %swap3A_143 = arith.index_cast %add3A_142 : i32 to index
          %swap3A_144 = tpu.vector_load %arg7[%swap3A_143] {strides = array<i32>} : memref<1024xf32, #tpu.memory_space<vmem>>, vector<16xf32>,
          %swap3A_145 = vector.shape_cast %swap3A_144 : vector<16xf32> to vector<16xf32>
          %swap3A_146 = vector.shape_cast %scan3A_114#3 : vector<16xf32> to vector<16xf32>
          tpu.vector_store %arg7[%swap3A_143], %swap3A_146 {strides = array<i32>} : memref<1024xf32, #tpu.memory_space<vmem>>, vector<16xf32>,
          %mul3A_147 = arith.constant 128 : i32
          %mul3A_148 = arith.muli %scan3A_109, %mul3A_147 : i32
          %add3A_149 = arith.constant 64 : i32
          %add3A_150 = arith.addi %mul3A_148, %add3A_149 : i32
          %swap3A_151 = arith.index_cast %add3A_150 : i32 to index
          %swap3A_152 = tpu.vector_load %arg7[%swap3A_151] {strides = array<i32>} : memref<1024xf32, #tpu.memory_space<vmem>>, vector<16xf32>,
          %swap3A_153 = vector.shape_cast %swap3A_152 : vector<16xf32> to vector<16xf32>
          %swap3A_154 = vector.shape_cast %scan3A_114#4 : vector<16xf32> to vector<16xf32>
          tpu.vector_store %arg7[%swap3A_151], %swap3A_154 {strides = array<i32>} : memref<1024xf32, #tpu.memory_space<vmem>>, vector<16xf32>,
          %mul3A_155 = arith.constant 128 : i32
          %mul3A_156 = arith.muli %scan3A_109, %mul3A_155 : i32
          %add3A_157 = arith.constant 80 : i32
          %add3A_158 = arith.addi %mul3A_156, %add3A_157 : i32
          %swap3A_159 = arith.index_cast %add3A_158 : i32 to index
          %swap3A_160 = tpu.vector_load %arg7[%swap3A_159] {strides = array<i32>} : memref<1024xf32, #tpu.memory_space<vmem>>, vector<16xf32>,
          %swap3A_161 = vector.shape_cast %swap3A_160 : vector<16xf32> to vector<16xf32>
          %swap3A_162 = vector.shape_cast %scan3A_114#5 : vector<16xf32> to vector<16xf32>
          tpu.vector_store %arg7[%swap3A_159], %swap3A_162 {strides = array<i32>} : memref<1024xf32, #tpu.memory_space<vmem>>, vector<16xf32>,
          %mul3A_163 = arith.constant 128 : i32
          %mul3A_164 = arith.muli %scan3A_109, %mul3A_163 : i32
          %add3A_165 = arith.constant 96 : i32
          %add3A_166 = arith.addi %mul3A_164, %add3A_165 : i32
          %swap3A_167 = arith.index_cast %add3A_166 : i32 to index
          %swap3A_168 = tpu.vector_load %arg7[%swap3A_167] {strides = array<i32>} : memref<1024xf32, #tpu.memory_space<vmem>>, vector<16xf32>,
          %swap3A_169 = vector.shape_cast %swap3A_168 : vector<16xf32> to vector<16xf32>
          %swap3A_170 = vector.shape_cast %scan3A_114#6 : vector<16xf32> to vector<16xf32>
          tpu.vector_store %arg7[%swap3A_167], %swap3A_170 {strides = array<i32>} : memref<1024xf32, #tpu.memory_space<vmem>>, vector<16xf32>,
          %mul3A_171 = arith.constant 128 : i32
          %mul3A_172 = arith.muli %scan3A_109, %mul3A_171 : i32
          %add3A_173 = arith.constant 112 : i32
          %add3A_174 = arith.addi %mul3A_172, %add3A_173 : i32
          %swap3A_175 = arith.index_cast %add3A_174 : i32 to index
          %swap3A_176 = tpu.vector_load %arg7[%swap3A_175] {strides = array<i32>} : memref<1024xf32, #tpu.memory_space<vmem>>, vector<16xf32>,
          %swap3A_177 = vector.shape_cast %swap3A_176 : vector<16xf32> to vector<16xf32>
          %swap3A_178 = vector.shape_cast %scan3A_114#7 : vector<16xf32> to vector<16xf32>
          tpu.vector_store %arg7[%swap3A_175], %swap3A_178 {strides = array<i32>} : memref<1024xf32, #tpu.memory_space<vmem>>, vector<16xf32>,
        }
        %scan3A_67 = arith.constant 8 : i32
        %add3A_68 = arith.constant 1 : i32
        %add3A_69 = arith.addi %scan3A_49, %add3A_68 : i32
        %lt3A_70 = arith.constant 2 : i32
        %lt3A_71 = arith.cmpi slt, %add3A_69, %lt3A_70 : i32
        %convert_element_type3A_72 = arith.extui %lt3A_71 : i1 to i32
        %cond3A_73 = arith.constant 0 : i32
        %cond3A_74 = arith.cmpi ne, %convert_element_type3A_72, %cond3A_73 : i32
        scf.if %cond3A_74 {
          %add3A_109 = arith.constant 1 : i32
          %add3A_110 = arith.addi %add3A_52, %add3A_109 : i32
          %mul3A_111 = arith.constant 128 : i32
          %mul3A_112 = arith.muli %add3A_110, %mul3A_111 : i32
          %dma_start3A_113 = arith.constant 0 : i32
          %dma_start3A_114 = arith.constant 0 : i32
          %dma_start3A_115 = tpu.memref_slice %arg2[%dma_start3A_113, %dma_start3A_114, %mul3A_112] : memref<91x8x20000xf32, #tpu.memory_space<hbm>> -> memref<49x8x128xf32, #tpu.memory_space<hbm>>
          %dma_start3A_116 = arith.constant 0 : i32
          %dma_start3A_117 = arith.constant 0 : i32
          %dma_start3A_118 = tpu.memref_slice %arg2[%dma_start3A_116, %dma_start3A_117, %mul3A_112] : memref<91x8x20000xf32, #tpu.memory_space<hbm>> -> memref<49x8x128xf32, #tpu.memory_space<hbm>>
          tpu.enqueue_dma source(%dma_start3A_118 : memref<49x8x128xf32, #tpu.memory_space<hbm>>) target(%arg5 : memref<49x8x128xf32, #tpu.memory_space<vmem>>) target_semaphore(%arg11 : memref<!tpu.dma_semaphore, #tpu.memory_space<semaphore_mem>>)
        } else {
        }
        %dma_wait3A_75 = arith.constant 0 : i32
        %dma_wait3A_76 = arith.constant 0 : i32
        %dma_wait3A_77 = arith.constant 0 : i32
        %dma_wait3A_78 = tpu.memref_slice %arg2[%dma_wait3A_75, %dma_wait3A_76, %dma_wait3A_77] : memref<91x8x20000xf32, #tpu.memory_space<hbm>> -> memref<42x8x128xf32, #tpu.memory_space<hbm>>
        %dma_wait3A_79 = arith.constant 0 : i32
        %dma_wait3A_80 = arith.constant 0 : i32
        %dma_wait3A_81 = arith.constant 0 : i32
        %dma_wait3A_82 = tpu.memref_slice %arg2[%dma_wait3A_79, %dma_wait3A_80, %dma_wait3A_81] : memref<91x8x20000xf32, #tpu.memory_space<hbm>> -> memref<42x8x128xf32, #tpu.memory_space<hbm>>
        tpu.wait_dma2 semaphore(%arg12 : memref<!tpu.dma_semaphore, #tpu.memory_space<semaphore_mem>>) src(%dma_wait3A_82 : memref<42x8x128xf32, #tpu.memory_space<hbm>>) dst(%arg6 : memref<42x8x128xf32, #tpu.memory_space<vmem>>)
        %scan3A_83 = arith.constant 0 : i32
        %scan3A_84 = arith.constant 0 : i32
        %scan3A_85 = arith.constant 8 : i32
        %scan3A_86 = arith.addi %scan3A_84, %scan3A_85 : i32
        %scan3A_87 = arith.constant 1 : i32
        scf.for %scan3A_109 = %scan3A_84 to %scan3A_86 step %scan3A_87  : i32 {
          %mul3A_110 = arith.constant 128 : i32
          %mul3A_111 = arith.muli %scan3A_109, %mul3A_110 : i32
          %add3A_112 = arith.constant 0 : i32
          %add3A_113 = arith.addi %mul3A_111, %add3A_112 : i32
          %get3A = arith.index_cast %add3A_113 : i32 to index
          %get3A_114 = tpu.vector_load %arg7[%get3A] {strides = array<i32>} : memref<1024xf32, #tpu.memory_space<vmem>>, vector<16xf32>,
          %get3A_115 = vector.shape_cast %get3A_114 : vector<16xf32> to vector<16xf32>
          %mul3A_116 = arith.constant 128 : i32
          %mul3A_117 = arith.muli %scan3A_109, %mul3A_116 : i32
          %add3A_118 = arith.constant 16 : i32
          %add3A_119 = arith.addi %mul3A_117, %add3A_118 : i32
          %get3A_120 = arith.index_cast %add3A_119 : i32 to index
          %get3A_121 = tpu.vector_load %arg7[%get3A_120] {strides = array<i32>} : memref<1024xf32, #tpu.memory_space<vmem>>, vector<16xf32>,
          %get3A_122 = vector.shape_cast %get3A_121 : vector<16xf32> to vector<16xf32>
          %mul3A_123 = arith.constant 128 : i32
          %mul3A_124 = arith.muli %scan3A_109, %mul3A_123 : i32
          %add3A_125 = arith.constant 32 : i32
          %add3A_126 = arith.addi %mul3A_124, %add3A_125 : i32
          %get3A_127 = arith.index_cast %add3A_126 : i32 to index
          %get3A_128 = tpu.vector_load %arg7[%get3A_127] {strides = array<i32>} : memref<1024xf32, #tpu.memory_space<vmem>>, vector<16xf32>,
          %get3A_129 = vector.shape_cast %get3A_128 : vector<16xf32> to vector<16xf32>
          %mul3A_130 = arith.constant 128 : i32
          %mul3A_131 = arith.muli %scan3A_109, %mul3A_130 : i32
          %add3A_132 = arith.constant 48 : i32
          %add3A_133 = arith.addi %mul3A_131, %add3A_132 : i32
          %get3A_134 = arith.index_cast %add3A_133 : i32 to index
          %get3A_135 = tpu.vector_load %arg7[%get3A_134] {strides = array<i32>} : memref<1024xf32, #tpu.memory_space<vmem>>, vector<16xf32>,
          %get3A_136 = vector.shape_cast %get3A_135 : vector<16xf32> to vector<16xf32>
          %mul3A_137 = arith.constant 128 : i32
          %mul3A_138 = arith.muli %scan3A_109, %mul3A_137 : i32
          %add3A_139 = arith.constant 64 : i32
          %add3A_140 = arith.addi %mul3A_138, %add3A_139 : i32
          %get3A_141 = arith.index_cast %add3A_140 : i32 to index
          %get3A_142 = tpu.vector_load %arg7[%get3A_141] {strides = array<i32>} : memref<1024xf32, #tpu.memory_space<vmem>>, vector<16xf32>,
          %get3A_143 = vector.shape_cast %get3A_142 : vector<16xf32> to vector<16xf32>
          %mul3A_144 = arith.constant 128 : i32
          %mul3A_145 = arith.muli %scan3A_109, %mul3A_144 : i32
          %add3A_146 = arith.constant 80 : i32
          %add3A_147 = arith.addi %mul3A_145, %add3A_146 : i32
          %get3A_148 = arith.index_cast %add3A_147 : i32 to index
          %get3A_149 = tpu.vector_load %arg7[%get3A_148] {strides = array<i32>} : memref<1024xf32, #tpu.memory_space<vmem>>, vector<16xf32>,
          %get3A_150 = vector.shape_cast %get3A_149 : vector<16xf32> to vector<16xf32>
          %mul3A_151 = arith.constant 128 : i32
          %mul3A_152 = arith.muli %scan3A_109, %mul3A_151 : i32
          %add3A_153 = arith.constant 96 : i32
          %add3A_154 = arith.addi %mul3A_152, %add3A_153 : i32
          %get3A_155 = arith.index_cast %add3A_154 : i32 to index
          %get3A_156 = tpu.vector_load %arg7[%get3A_155] {strides = array<i32>} : memref<1024xf32, #tpu.memory_space<vmem>>, vector<16xf32>,
          %get3A_157 = vector.shape_cast %get3A_156 : vector<16xf32> to vector<16xf32>
          %mul3A_158 = arith.constant 128 : i32
          %mul3A_159 = arith.muli %scan3A_109, %mul3A_158 : i32
          %add3A_160 = arith.constant 112 : i32
          %add3A_161 = arith.addi %mul3A_159, %add3A_160 : i32
          %get3A_162 = arith.index_cast %add3A_161 : i32 to index
          %get3A_163 = tpu.vector_load %arg7[%get3A_162] {strides = array<i32>} : memref<1024xf32, #tpu.memory_space<vmem>>, vector<16xf32>,
          %get3A_164 = vector.shape_cast %get3A_163 : vector<16xf32> to vector<16xf32>
          %scan3A_165 = arith.constant 0 : i32
          %scan3A_166 = arith.constant 42 : i32
          %scan3A_167 = arith.addi %scan3A_165, %scan3A_166 : i32
          %scan3A_168 = arith.constant 1 : i32
          %scan3A_169:8 = scf.for %scan3A_241 = %scan3A_165 to %scan3A_167 step %scan3A_168 iter_args(%scan3A_242 = %get3A_115, %scan3A_243 = %get3A_122, %scan3A_244 = %get3A_129, %scan3A_245 = %get3A_136, %scan3A_246 = %get3A_143, %scan3A_247 = %get3A_150, %scan3A_248 = %get3A_157, %scan3A_249 = %get3A_164) -> (vector<16xf32>, vector<16xf32>, vector<16xf32>, vector<16xf32>, vector<16xf32>, vector<16xf32>, vector<16xf32>, vector<16xf32>)  : i32 {
            %mul3A_250 = arith.constant 96 : i32
            %mul3A_251 = arith.muli %scan3A_109, %mul3A_250 : i32
            %add3A_252 = arith.constant 49 : i32
            %add3A_253 = arith.addi %mul3A_251, %add3A_252 : i32
            %add3A_254 = arith.addi %add3A_253, %scan3A_241 : i32
            %mul3A_255 = arith.constant 16 : i32
            %mul3A_256 = arith.muli %add3A_254, %mul3A_255 : i32
            %get3A_257 = arith.index_cast %mul3A_256 : i32 to index
            %get3A_258 = tpu.vector_load %arg10[%get3A_257] {strides = array<i32>} : memref<12288xf32, #tpu.memory_space<vmem>>, vector<16xf32>,
            %get3A_259 = vector.shape_cast %get3A_258 : vector<16xf32> to vector<16xf32>
            %get3A_260 = arith.index_cast %scan3A_241 : i32 to index
            %get3A_261 = arith.index_cast %scan3A_109 : i32 to index
            %get3A_262 = arith.constant 0 : index
            %get3A_263 = tpu.vector_load %arg6[%get3A_260, %get3A_261, %get3A_262] {strides = array<i32>} : memref<42x8x128xf32, #tpu.memory_space<vmem>>, vector<1x1x16xf32>,
            %get3A_264 = vector.shape_cast %get3A_263 : vector<1x1x16xf32> to vector<16xf32>
            %neg3A = arith.constant 0.000000e+00 : f32
            %neg3A_265 = vector.broadcast %neg3A : f32 to vector<16xf32>
            %neg3A_266 = arith.subf %neg3A_265, %get3A_264 : vector<16xf32>
            %exp3A = math.exp %neg3A_266 : vector<16xf32>
            %mul3A_267 = arith.mulf %get3A_259, %exp3A : vector<16xf32>
            %add3A_268 = arith.addf %mul3A_267, %get3A_259 : vector<16xf32>
            %min3A = arith.minimumf %scan3A_242, %add3A_268 : vector<16xf32>
            %get3A_269 = arith.index_cast %scan3A_241 : i32 to index
            %get3A_270 = arith.index_cast %scan3A_109 : i32 to index
            %get3A_271 = arith.constant 16 : index
            %get3A_272 = tpu.vector_load %arg6[%get3A_269, %get3A_270, %get3A_271] {strides = array<i32>} : memref<42x8x128xf32, #tpu.memory_space<vmem>>, vector<1x1x16xf32>,
            %get3A_273 = vector.shape_cast %get3A_272 : vector<1x1x16xf32> to vector<16xf32>
            %neg3A_274 = arith.constant 0.000000e+00 : f32
            %neg3A_275 = vector.broadcast %neg3A_274 : f32 to vector<16xf32>
            %neg3A_276 = arith.subf %neg3A_275, %get3A_273 : vector<16xf32>
            %exp3A_277 = math.exp %neg3A_276 : vector<16xf32>
            %mul3A_278 = arith.mulf %get3A_259, %exp3A_277 : vector<16xf32>
            %add3A_279 = arith.addf %mul3A_278, %get3A_259 : vector<16xf32>
            %min3A_280 = arith.minimumf %scan3A_243, %add3A_279 : vector<16xf32>
            %get3A_281 = arith.index_cast %scan3A_241 : i32 to index
            %get3A_282 = arith.index_cast %scan3A_109 : i32 to index
            %get3A_283 = arith.constant 32 : index
            %get3A_284 = tpu.vector_load %arg6[%get3A_281, %get3A_282, %get3A_283] {strides = array<i32>} : memref<42x8x128xf32, #tpu.memory_space<vmem>>, vector<1x1x16xf32>,
            %get3A_285 = vector.shape_cast %get3A_284 : vector<1x1x16xf32> to vector<16xf32>
            %neg3A_286 = arith.constant 0.000000e+00 : f32
            %neg3A_287 = vector.broadcast %neg3A_286 : f32 to vector<16xf32>
            %neg3A_288 = arith.subf %neg3A_287, %get3A_285 : vector<16xf32>
            %exp3A_289 = math.exp %neg3A_288 : vector<16xf32>
            %mul3A_290 = arith.mulf %get3A_259, %exp3A_289 : vector<16xf32>
            %add3A_291 = arith.addf %mul3A_290, %get3A_259 : vector<16xf32>
            %min3A_292 = arith.minimumf %scan3A_244, %add3A_291 : vector<16xf32>
            %get3A_293 = arith.index_cast %scan3A_241 : i32 to index
            %get3A_294 = arith.index_cast %scan3A_109 : i32 to index
            %get3A_295 = arith.constant 48 : index
            %get3A_296 = tpu.vector_load %arg6[%get3A_293, %get3A_294, %get3A_295] {strides = array<i32>} : memref<42x8x128xf32, #tpu.memory_space<vmem>>, vector<1x1x16xf32>,
            %get3A_297 = vector.shape_cast %get3A_296 : vector<1x1x16xf32> to vector<16xf32>
            %neg3A_298 = arith.constant 0.000000e+00 : f32
            %neg3A_299 = vector.broadcast %neg3A_298 : f32 to vector<16xf32>
            %neg3A_300 = arith.subf %neg3A_299, %get3A_297 : vector<16xf32>
            %exp3A_301 = math.exp %neg3A_300 : vector<16xf32>
            %mul3A_302 = arith.mulf %get3A_259, %exp3A_301 : vector<16xf32>
            %add3A_303 = arith.addf %mul3A_302, %get3A_259 : vector<16xf32>
            %min3A_304 = arith.minimumf %scan3A_245, %add3A_303 : vector<16xf32>
            %get3A_305 = arith.index_cast %scan3A_241 : i32 to index
            %get3A_306 = arith.index_cast %scan3A_109 : i32 to index
            %get3A_307 = arith.constant 64 : index
            %get3A_308 = tpu.vector_load %arg6[%get3A_305, %get3A_306, %get3A_307] {strides = array<i32>} : memref<42x8x128xf32, #tpu.memory_space<vmem>>, vector<1x1x16xf32>,
            %get3A_309 = vector.shape_cast %get3A_308 : vector<1x1x16xf32> to vector<16xf32>
            %neg3A_310 = arith.constant 0.000000e+00 : f32
            %neg3A_311 = vector.broadcast %neg3A_310 : f32 to vector<16xf32>
            %neg3A_312 = arith.subf %neg3A_311, %get3A_309 : vector<16xf32>
            %exp3A_313 = math.exp %neg3A_312 : vector<16xf32>
            %mul3A_314 = arith.mulf %get3A_259, %exp3A_313 : vector<16xf32>
            %add3A_315 = arith.addf %mul3A_314, %get3A_259 : vector<16xf32>
            %min3A_316 = arith.minimumf %scan3A_246, %add3A_315 : vector<16xf32>
            %get3A_317 = arith.index_cast %scan3A_241 : i32 to index
            %get3A_318 = arith.index_cast %scan3A_109 : i32 to index
            %get3A_319 = arith.constant 80 : index
            %get3A_320 = tpu.vector_load %arg6[%get3A_317, %get3A_318, %get3A_319] {strides = array<i32>} : memref<42x8x128xf32, #tpu.memory_space<vmem>>, vector<1x1x16xf32>,
            %get3A_321 = vector.shape_cast %get3A_320 : vector<1x1x16xf32> to vector<16xf32>
            %neg3A_322 = arith.constant 0.000000e+00 : f32
            %neg3A_323 = vector.broadcast %neg3A_322 : f32 to vector<16xf32>
            %neg3A_324 = arith.subf %neg3A_323, %get3A_321 : vector<16xf32>
            %exp3A_325 = math.exp %neg3A_324 : vector<16xf32>
            %mul3A_326 = arith.mulf %get3A_259, %exp3A_325 : vector<16xf32>
            %add3A_327 = arith.addf %mul3A_326, %get3A_259 : vector<16xf32>
            %min3A_328 = arith.minimumf %scan3A_247, %add3A_327 : vector<16xf32>
            %get3A_329 = arith.index_cast %scan3A_241 : i32 to index
            %get3A_330 = arith.index_cast %scan3A_109 : i32 to index
            %get3A_331 = arith.constant 96 : index
            %get3A_332 = tpu.vector_load %arg6[%get3A_329, %get3A_330, %get3A_331] {strides = array<i32>} : memref<42x8x128xf32, #tpu.memory_space<vmem>>, vector<1x1x16xf32>,
            %get3A_333 = vector.shape_cast %get3A_332 : vector<1x1x16xf32> to vector<16xf32>
            %neg3A_334 = arith.constant 0.000000e+00 : f32
            %neg3A_335 = vector.broadcast %neg3A_334 : f32 to vector<16xf32>
            %neg3A_336 = arith.subf %neg3A_335, %get3A_333 : vector<16xf32>
            %exp3A_337 = math.exp %neg3A_336 : vector<16xf32>
            %mul3A_338 = arith.mulf %get3A_259, %exp3A_337 : vector<16xf32>
            %add3A_339 = arith.addf %mul3A_338, %get3A_259 : vector<16xf32>
            %min3A_340 = arith.minimumf %scan3A_248, %add3A_339 : vector<16xf32>
            %get3A_341 = arith.index_cast %scan3A_241 : i32 to index
            %get3A_342 = arith.index_cast %scan3A_109 : i32 to index
            %get3A_343 = arith.constant 112 : index
            %get3A_344 = tpu.vector_load %arg6[%get3A_341, %get3A_342, %get3A_343] {strides = array<i32>} : memref<42x8x128xf32, #tpu.memory_space<vmem>>, vector<1x1x16xf32>,
            %get3A_345 = vector.shape_cast %get3A_344 : vector<1x1x16xf32> to vector<16xf32>
            %neg3A_346 = arith.constant 0.000000e+00 : f32
            %neg3A_347 = vector.broadcast %neg3A_346 : f32 to vector<16xf32>
            %neg3A_348 = arith.subf %neg3A_347, %get3A_345 : vector<16xf32>
            %exp3A_349 = math.exp %neg3A_348 : vector<16xf32>
            %mul3A_350 = arith.mulf %get3A_259, %exp3A_349 : vector<16xf32>
            %add3A_351 = arith.addf %mul3A_350, %get3A_259 : vector<16xf32>
            %min3A_352 = arith.minimumf %scan3A_249, %add3A_351 : vector<16xf32>
            scf.yield %min3A, %min3A_280, %min3A_292, %min3A_304, %min3A_316, %min3A_328, %min3A_340, %min3A_352 : vector<16xf32>, vector<16xf32>, vector<16xf32>, vector<16xf32>, vector<16xf32>, vector<16xf32>, vector<16xf32>, vector<16xf32>
          }
          %scan3A_170 = arith.constant 42 : i32
          %div3A = arith.constant 1.000000e+00 : f32
          %div3A_171 = vector.broadcast %div3A : f32 to vector<16xf32>
          %div3A_172 = arith.divf %div3A_171, %scan3A_169#0 : vector<16xf32>
          %swap3A = arith.index_cast %and3A_53 : i32 to index
          %swap3A_173 = arith.index_cast %scan3A_109 : i32 to index
          %swap3A_174 = arith.constant 0 : index
          %swap3A_175 = tpu.vector_load %arg8[%swap3A, %swap3A_173, %swap3A_174] {strides = array<i32>} : memref<2x8x128xf32, #tpu.memory_space<vmem>>, vector<1x1x16xf32>,
          %swap3A_176 = vector.shape_cast %swap3A_175 : vector<1x1x16xf32> to vector<16xf32>
          %swap3A_177 = vector.shape_cast %div3A_172 : vector<16xf32> to vector<1x1x16xf32>
          tpu.vector_store %arg8[%swap3A, %swap3A_173, %swap3A_174], %swap3A_177 {strides = array<i32>} : memref<2x8x128xf32, #tpu.memory_space<vmem>>, vector<1x1x16xf32>,
          %div3A_178 = arith.constant 1.000000e+00 : f32
          %div3A_179 = vector.broadcast %div3A_178 : f32 to vector<16xf32>
          %div3A_180 = arith.divf %div3A_179, %scan3A_169#1 : vector<16xf32>
          %swap3A_181 = arith.index_cast %and3A_53 : i32 to index
          %swap3A_182 = arith.index_cast %scan3A_109 : i32 to index
          %swap3A_183 = arith.constant 16 : index
          %swap3A_184 = tpu.vector_load %arg8[%swap3A_181, %swap3A_182, %swap3A_183] {strides = array<i32>} : memref<2x8x128xf32, #tpu.memory_space<vmem>>, vector<1x1x16xf32>,
          %swap3A_185 = vector.shape_cast %swap3A_184 : vector<1x1x16xf32> to vector<16xf32>
          %swap3A_186 = vector.shape_cast %div3A_180 : vector<16xf32> to vector<1x1x16xf32>
          tpu.vector_store %arg8[%swap3A_181, %swap3A_182, %swap3A_183], %swap3A_186 {strides = array<i32>} : memref<2x8x128xf32, #tpu.memory_space<vmem>>, vector<1x1x16xf32>,
          %div3A_187 = arith.constant 1.000000e+00 : f32
          %div3A_188 = vector.broadcast %div3A_187 : f32 to vector<16xf32>
          %div3A_189 = arith.divf %div3A_188, %scan3A_169#2 : vector<16xf32>
          %swap3A_190 = arith.index_cast %and3A_53 : i32 to index
          %swap3A_191 = arith.index_cast %scan3A_109 : i32 to index
          %swap3A_192 = arith.constant 32 : index
          %swap3A_193 = tpu.vector_load %arg8[%swap3A_190, %swap3A_191, %swap3A_192] {strides = array<i32>} : memref<2x8x128xf32, #tpu.memory_space<vmem>>, vector<1x1x16xf32>,
          %swap3A_194 = vector.shape_cast %swap3A_193 : vector<1x1x16xf32> to vector<16xf32>
          %swap3A_195 = vector.shape_cast %div3A_189 : vector<16xf32> to vector<1x1x16xf32>
          tpu.vector_store %arg8[%swap3A_190, %swap3A_191, %swap3A_192], %swap3A_195 {strides = array<i32>} : memref<2x8x128xf32, #tpu.memory_space<vmem>>, vector<1x1x16xf32>,
          %div3A_196 = arith.constant 1.000000e+00 : f32
          %div3A_197 = vector.broadcast %div3A_196 : f32 to vector<16xf32>
          %div3A_198 = arith.divf %div3A_197, %scan3A_169#3 : vector<16xf32>
          %swap3A_199 = arith.index_cast %and3A_53 : i32 to index
          %swap3A_200 = arith.index_cast %scan3A_109 : i32 to index
          %swap3A_201 = arith.constant 48 : index
          %swap3A_202 = tpu.vector_load %arg8[%swap3A_199, %swap3A_200, %swap3A_201] {strides = array<i32>} : memref<2x8x128xf32, #tpu.memory_space<vmem>>, vector<1x1x16xf32>,
          %swap3A_203 = vector.shape_cast %swap3A_202 : vector<1x1x16xf32> to vector<16xf32>
          %swap3A_204 = vector.shape_cast %div3A_198 : vector<16xf32> to vector<1x1x16xf32>
          tpu.vector_store %arg8[%swap3A_199, %swap3A_200, %swap3A_201], %swap3A_204 {strides = array<i32>} : memref<2x8x128xf32, #tpu.memory_space<vmem>>, vector<1x1x16xf32>,
          %div3A_205 = arith.constant 1.000000e+00 : f32
          %div3A_206 = vector.broadcast %div3A_205 : f32 to vector<16xf32>
          %div3A_207 = arith.divf %div3A_206, %scan3A_169#4 : vector<16xf32>
          %swap3A_208 = arith.index_cast %and3A_53 : i32 to index
          %swap3A_209 = arith.index_cast %scan3A_109 : i32 to index
          %swap3A_210 = arith.constant 64 : index
          %swap3A_211 = tpu.vector_load %arg8[%swap3A_208, %swap3A_209, %swap3A_210] {strides = array<i32>} : memref<2x8x128xf32, #tpu.memory_space<vmem>>, vector<1x1x16xf32>,
          %swap3A_212 = vector.shape_cast %swap3A_211 : vector<1x1x16xf32> to vector<16xf32>
          %swap3A_213 = vector.shape_cast %div3A_207 : vector<16xf32> to vector<1x1x16xf32>
          tpu.vector_store %arg8[%swap3A_208, %swap3A_209, %swap3A_210], %swap3A_213 {strides = array<i32>} : memref<2x8x128xf32, #tpu.memory_space<vmem>>, vector<1x1x16xf32>,
          %div3A_214 = arith.constant 1.000000e+00 : f32
          %div3A_215 = vector.broadcast %div3A_214 : f32 to vector<16xf32>
          %div3A_216 = arith.divf %div3A_215, %scan3A_169#5 : vector<16xf32>
          %swap3A_217 = arith.index_cast %and3A_53 : i32 to index
          %swap3A_218 = arith.index_cast %scan3A_109 : i32 to index
          %swap3A_219 = arith.constant 80 : index
          %swap3A_220 = tpu.vector_load %arg8[%swap3A_217, %swap3A_218, %swap3A_219] {strides = array<i32>} : memref<2x8x128xf32, #tpu.memory_space<vmem>>, vector<1x1x16xf32>,
          %swap3A_221 = vector.shape_cast %swap3A_220 : vector<1x1x16xf32> to vector<16xf32>
          %swap3A_222 = vector.shape_cast %div3A_216 : vector<16xf32> to vector<1x1x16xf32>
          tpu.vector_store %arg8[%swap3A_217, %swap3A_218, %swap3A_219], %swap3A_222 {strides = array<i32>} : memref<2x8x128xf32, #tpu.memory_space<vmem>>, vector<1x1x16xf32>,
          %div3A_223 = arith.constant 1.000000e+00 : f32
          %div3A_224 = vector.broadcast %div3A_223 : f32 to vector<16xf32>
          %div3A_225 = arith.divf %div3A_224, %scan3A_169#6 : vector<16xf32>
          %swap3A_226 = arith.index_cast %and3A_53 : i32 to index
          %swap3A_227 = arith.index_cast %scan3A_109 : i32 to index
          %swap3A_228 = arith.constant 96 : index
          %swap3A_229 = tpu.vector_load %arg8[%swap3A_226, %swap3A_227, %swap3A_228] {strides = array<i32>} : memref<2x8x128xf32, #tpu.memory_space<vmem>>, vector<1x1x16xf32>,
          %swap3A_230 = vector.shape_cast %swap3A_229 : vector<1x1x16xf32> to vector<16xf32>
          %swap3A_231 = vector.shape_cast %div3A_225 : vector<16xf32> to vector<1x1x16xf32>
          tpu.vector_store %arg8[%swap3A_226, %swap3A_227, %swap3A_228], %swap3A_231 {strides = array<i32>} : memref<2x8x128xf32, #tpu.memory_space<vmem>>, vector<1x1x16xf32>,
          %div3A_232 = arith.constant 1.000000e+00 : f32
          %div3A_233 = vector.broadcast %div3A_232 : f32 to vector<16xf32>
          %div3A_234 = arith.divf %div3A_233, %scan3A_169#7 : vector<16xf32>
          %swap3A_235 = arith.index_cast %and3A_53 : i32 to index
          %swap3A_236 = arith.index_cast %scan3A_109 : i32 to index
          %swap3A_237 = arith.constant 112 : index
          %swap3A_238 = tpu.vector_load %arg8[%swap3A_235, %swap3A_236, %swap3A_237] {strides = array<i32>} : memref<2x8x128xf32, #tpu.memory_space<vmem>>, vector<1x1x16xf32>,
          %swap3A_239 = vector.shape_cast %swap3A_238 : vector<1x1x16xf32> to vector<16xf32>
          %swap3A_240 = vector.shape_cast %div3A_234 : vector<16xf32> to vector<1x1x16xf32>
          tpu.vector_store %arg8[%swap3A_235, %swap3A_236, %swap3A_237], %swap3A_240 {strides = array<i32>} : memref<2x8x128xf32, #tpu.memory_space<vmem>>, vector<1x1x16xf32>,
        }
        %scan3A_88 = arith.constant 8 : i32
        %mul3A_89 = arith.constant 128 : i32
        %mul3A_90 = arith.muli %add3A_52, %mul3A_89 : i32
        %dma_start3A = arith.constant 0 : i32
        %dma_start3A_91 = arith.constant 0 : i32
        %dma_start3A_92 = tpu.memref_slice %arg8[%and3A_53, %dma_start3A, %dma_start3A_91] : memref<2x8x128xf32, #tpu.memory_space<vmem>> -> memref<1x8x128xf32, #tpu.memory_space<vmem>>
        %dma_start3A_93 = tpu.memref_squeeze %dma_start3A_92 : memref<1x8x128xf32, #tpu.memory_space<vmem>> -> memref<8x128xf32, #tpu.memory_space<vmem>>
        %dma_start3A_94 = arith.constant 0 : i32
        %dma_start3A_95 = tpu.memref_slice %arg4[%dma_start3A_94, %mul3A_90] : memref<8x5120xf32, #tpu.memory_space<hbm>> -> memref<8x128xf32, #tpu.memory_space<hbm>>
        %dma_start3A_96 = arith.constant 0 : i32
        %dma_start3A_97 = tpu.memref_slice %arg4[%dma_start3A_96, %mul3A_90] : memref<8x5120xf32, #tpu.memory_space<hbm>> -> memref<8x128xf32, #tpu.memory_space<hbm>>
        %dma_start3A_98 = arith.constant 0 : i32
        %dma_start3A_99 = arith.constant 0 : i32
        %dma_start3A_100 = tpu.memref_slice %arg8[%and3A_53, %dma_start3A_98, %dma_start3A_99] : memref<2x8x128xf32, #tpu.memory_space<vmem>> -> memref<1x8x128xf32, #tpu.memory_space<vmem>>
        %dma_start3A_101 = tpu.memref_squeeze %dma_start3A_100 : memref<1x8x128xf32, #tpu.memory_space<vmem>> -> memref<8x128xf32, #tpu.memory_space<vmem>>
        tpu.enqueue_dma source(%dma_start3A_101 : memref<8x128xf32, #tpu.memory_space<vmem>>) target(%dma_start3A_97 : memref<8x128xf32, #tpu.memory_space<hbm>>) target_semaphore(%arg13 : memref<!tpu.dma_semaphore, #tpu.memory_space<semaphore_mem>>)
        %add3A_102 = arith.constant 1 : i32
        %add3A_103 = arith.addi %scan3A_49, %add3A_102 : i32
        %lt3A_104 = arith.constant 2 : i32
        %lt3A_105 = arith.cmpi slt, %add3A_103, %lt3A_104 : i32
        %convert_element_type3A_106 = arith.extui %lt3A_105 : i1 to i32
        %cond3A_107 = arith.constant 0 : i32
        %cond3A_108 = arith.cmpi ne, %convert_element_type3A_106, %cond3A_107 : i32
        scf.if %cond3A_108 {
          %add3A_109 = arith.constant 1 : i32
          %add3A_110 = arith.addi %add3A_52, %add3A_109 : i32
          %mul3A_111 = arith.constant 128 : i32
          %mul3A_112 = arith.muli %add3A_110, %mul3A_111 : i32
          %dma_start3A_113 = arith.constant 49 : i32
          %dma_start3A_114 = arith.constant 0 : i32
          %dma_start3A_115 = tpu.memref_slice %arg2[%dma_start3A_113, %dma_start3A_114, %mul3A_112] : memref<91x8x20000xf32, #tpu.memory_space<hbm>> -> memref<42x8x128xf32, #tpu.memory_space<hbm>>
          %dma_start3A_116 = arith.constant 49 : i32
          %dma_start3A_117 = arith.constant 0 : i32
          %dma_start3A_118 = tpu.memref_slice %arg2[%dma_start3A_116, %dma_start3A_117, %mul3A_112] : memref<91x8x20000xf32, #tpu.memory_space<hbm>> -> memref<42x8x128xf32, #tpu.memory_space<hbm>>
          tpu.enqueue_dma source(%dma_start3A_118 : memref<42x8x128xf32, #tpu.memory_space<hbm>>) target(%arg6 : memref<42x8x128xf32, #tpu.memory_space<vmem>>) target_semaphore(%arg12 : memref<!tpu.dma_semaphore, #tpu.memory_space<semaphore_mem>>)
        } else {
        }
      }
      %scan3A_19 = arith.constant 2 : i32
      %dma_wait3A = arith.constant 0 : i32
      %dma_wait3A_20 = arith.constant 0 : i32
      %dma_wait3A_21 = arith.constant 0 : i32
      %dma_wait3A_22 = tpu.memref_slice %arg8[%dma_wait3A, %dma_wait3A_20, %dma_wait3A_21] : memref<2x8x128xf32, #tpu.memory_space<vmem>> -> memref<1x8x128xf32, #tpu.memory_space<vmem>>
      %dma_wait3A_23 = tpu.memref_squeeze %dma_wait3A_22 : memref<1x8x128xf32, #tpu.memory_space<vmem>> -> memref<8x128xf32, #tpu.memory_space<vmem>>
      %dma_wait3A_24 = arith.constant 0 : i32
      %dma_wait3A_25 = arith.constant 0 : i32
      %dma_wait3A_26 = tpu.memref_slice %arg4[%dma_wait3A_24, %dma_wait3A_25] : memref<8x5120xf32, #tpu.memory_space<hbm>> -> memref<8x128xf32, #tpu.memory_space<hbm>>
      %dma_wait3A_27 = arith.constant 0 : i32
      %dma_wait3A_28 = arith.constant 0 : i32
      %dma_wait3A_29 = tpu.memref_slice %arg4[%dma_wait3A_27, %dma_wait3A_28] : memref<8x5120xf32, #tpu.memory_space<hbm>> -> memref<8x128xf32, #tpu.memory_space<hbm>>
      %dma_wait3A_30 = arith.constant 0 : i32
      %dma_wait3A_31 = arith.constant 0 : i32
      %dma_wait3A_32 = tpu.memref_slice %arg8[%dma_wait3A, %dma_wait3A_30, %dma_wait3A_31] : memref<2x8x128xf32, #tpu.memory_space<vmem>> -> memref<1x8x128xf32, #tpu.memory_space<vmem>>
      %dma_wait3A_33 = tpu.memref_squeeze %dma_wait3A_32 : memref<1x8x128xf32, #tpu.memory_space<vmem>> -> memref<8x128xf32, #tpu.memory_space<vmem>>
      tpu.wait_dma2 semaphore(%arg13 : memref<!tpu.dma_semaphore, #tpu.memory_space<semaphore_mem>>) src(%dma_wait3A_33 : memref<8x128xf32, #tpu.memory_space<vmem>>) dst(%dma_wait3A_29 : memref<8x128xf32, #tpu.memory_space<hbm>>)
      %dma_wait3A_34 = arith.constant 0 : i32
      %dma_wait3A_35 = arith.constant 0 : i32
      %dma_wait3A_36 = arith.constant 0 : i32
      %dma_wait3A_37 = tpu.memref_slice %arg8[%dma_wait3A_34, %dma_wait3A_35, %dma_wait3A_36] : memref<2x8x128xf32, #tpu.memory_space<vmem>> -> memref<1x8x128xf32, #tpu.memory_space<vmem>>
      %dma_wait3A_38 = tpu.memref_squeeze %dma_wait3A_37 : memref<1x8x128xf32, #tpu.memory_space<vmem>> -> memref<8x128xf32, #tpu.memory_space<vmem>>
      %dma_wait3A_39 = arith.constant 0 : i32
      %dma_wait3A_40 = arith.constant 0 : i32
      %dma_wait3A_41 = tpu.memref_slice %arg4[%dma_wait3A_39, %dma_wait3A_40] : memref<8x5120xf32, #tpu.memory_space<hbm>> -> memref<8x128xf32, #tpu.memory_space<hbm>>
      %dma_wait3A_42 = arith.constant 0 : i32
      %dma_wait3A_43 = arith.constant 0 : i32
      %dma_wait3A_44 = tpu.memref_slice %arg4[%dma_wait3A_42, %dma_wait3A_43] : memref<8x5120xf32, #tpu.memory_space<hbm>> -> memref<8x128xf32, #tpu.memory_space<hbm>>
      %dma_wait3A_45 = arith.constant 0 : i32
      %dma_wait3A_46 = arith.constant 0 : i32
      %dma_wait3A_47 = tpu.memref_slice %arg8[%dma_wait3A_34, %dma_wait3A_45, %dma_wait3A_46] : memref<2x8x128xf32, #tpu.memory_space<vmem>> -> memref<1x8x128xf32, #tpu.memory_space<vmem>>
      %dma_wait3A_48 = tpu.memref_squeeze %dma_wait3A_47 : memref<1x8x128xf32, #tpu.memory_space<vmem>> -> memref<8x128xf32, #tpu.memory_space<vmem>>
      tpu.wait_dma2 semaphore(%arg13 : memref<!tpu.dma_semaphore, #tpu.memory_space<semaphore_mem>>) src(%dma_wait3A_48 : memref<8x128xf32, #tpu.memory_space<vmem>>) dst(%dma_wait3A_44 : memref<8x128xf32, #tpu.memory_space<hbm>>)
    } else {
    }
    return
  }
}

module attributes {stable_mosaic.version = 14 : i64} {
  func.func @_tc_main_body(%arg0: i32, %arg1: memref<2x8xi32, #tpu.memory_space<vmem>>, %arg2: memref<128x8xf32, #tpu.memory_space<vmem>>, %arg3: memref<91x8x1024xf32, #tpu.memory_space<vmem>>, %arg4: memref<8x4x1408xf32, #tpu.memory_space<vmem>>, %arg5: memref<8x1024xf32, #tpu.memory_space<vmem>>, %arg6: memref<8x4x1408xf32, #tpu.memory_space<vmem>>, %arg7: memref<8x1408xi32, #tpu.memory_space<vmem>>) attributes {dimension_semantics = [#tpu.dimension_semantics<arbitrary>], iteration_bounds = array<i64: 15>, scalar_prefetch = 0 : i64, scratch_operands = 0 : i64, tpu.core_type = #tpu.core_type<tc>, window_params = [{pipeline_mode = #tpu.pipeline_mode<synchronous>, transform_indices = @transform_0, window_bounds = array<i64: 2, 8>}, {pipeline_mode = #tpu.pipeline_mode<synchronous>, transform_indices = @transform_1, window_bounds = array<i64: 128, 8>}, {transform_indices = @transform_2, window_bounds = array<i64: 91, 8, 1024>}, {transform_indices = @transform_3, window_bounds = array<i64: 8, 4, 1408>}, {transform_indices = @transform_4, window_bounds = array<i64: 8, 1024>}, {transform_indices = @transform_5, window_bounds = array<i64: 8, 4, 1408>}, {transform_indices = @transform_6, window_bounds = array<i64: 8, 1408>}]} {
    %get3A = arith.constant 0 : index
    %get3A_0 = arith.constant 0 : index
    %get3A_1 = arith.constant 0 : index
    %get3A_2 = vector.load %arg3[%get3A, %get3A_0, %get3A_1] : memref<91x8x1024xf32, #tpu.memory_space<vmem>>, vector<91x8x1024xf32>
    %get3A_3 = arith.constant 0 : index
    %get3A_4 = arith.constant 0 : index
    %get3A_5 = vector.load %arg2[%get3A_3, %get3A_4] : memref<128x8xf32, #tpu.memory_space<vmem>>, vector<128x8xf32>
    %slice3A = vector.extract_strided_slice %get3A_5 {offsets = [0, 0], sizes = [91, 8], strides = [1, 1]} : vector<128x8xf32> to vector<91x8xf32>
    %neg3A = arith.constant 0.000000e+00 : f32
    %neg3A_6 = vector.broadcast %neg3A : f32 to vector<91x8xf32>
    %neg3A_7 = arith.subf %neg3A_6, %slice3A : vector<91x8xf32>
    %exp3A = math.exp %neg3A_7 : vector<91x8xf32>
    %add3A = arith.constant 1.000000e+00 : f32
    %add3A_8 = vector.broadcast %add3A : f32 to vector<91x8xf32>
    %add3A_9 = arith.addf %add3A_8, %exp3A : vector<91x8xf32>
    %broadcast_in_dim3A = vector.shape_cast %add3A_9 : vector<91x8xf32> to vector<91x8x1xf32>
    %neg3A_10 = arith.constant 0.000000e+00 : f32
    %neg3A_11 = vector.broadcast %neg3A_10 : f32 to vector<91x8x1024xf32>
    %neg3A_12 = arith.subf %neg3A_11, %get3A_2 : vector<91x8x1024xf32>
    %exp3A_13 = math.exp %neg3A_12 : vector<91x8x1024xf32>
    %mul3A = vector.broadcast %broadcast_in_dim3A : vector<91x8x1xf32> to vector<91x8x1024xf32>
    %mul3A_14 = arith.mulf %mul3A, %exp3A_13 : vector<91x8x1024xf32>
    %broadcast_in_dim3A_15 = vector.shape_cast %add3A_9 : vector<91x8xf32> to vector<91x8x1xf32>
    %add3A_16 = vector.broadcast %broadcast_in_dim3A_15 : vector<91x8x1xf32> to vector<91x8x1024xf32>
    %add3A_17 = arith.addf %mul3A_14, %add3A_16 : vector<91x8x1024xf32>
    %reduce_min3A = arith.constant dense<0x7F800000> : vector<8x1024xf32>
    %reduce_min3A_18 = vector.multi_reduction <minimumf>, %add3A_17, %reduce_min3A [0] : vector<91x8x1024xf32> to vector<8x1024xf32>
    %div3A = arith.constant 1.000000e+00 : f32
    %div3A_19 = vector.broadcast %div3A : f32 to vector<8x1024xf32>
    %div3A_20 = arith.divf %div3A_19, %reduce_min3A_18 : vector<8x1024xf32>
    %swap3A = arith.constant 0 : index
    %swap3A_21 = arith.constant 0 : index
    %swap3A_22 = vector.load %arg5[%swap3A, %swap3A_21] : memref<8x1024xf32, #tpu.memory_space<vmem>>, vector<8x1024xf32>
    tpu.vector_store %arg5[%swap3A, %swap3A_21], %div3A_20 {strides = array<i32>} : memref<8x1024xf32, #tpu.memory_space<vmem>>, vector<8x1024xf32>,
    %get3A_23 = arith.constant 0 : index
    %get3A_24 = arith.constant 0 : index
    %get3A_25 = arith.constant 0 : index
    %get3A_26 = vector.load %arg4[%get3A_23, %get3A_24, %get3A_25] : memref<8x4x1408xf32, #tpu.memory_space<vmem>>, vector<8x4x1408xf32>
    %get3A_27 = arith.constant 0 : index
    %get3A_28 = arith.constant 0 : index
    %get3A_29 = vector.load %arg1[%get3A_27, %get3A_28] : memref<2x8xi32, #tpu.memory_space<vmem>>, vector<2x8xi32>
    %convert_element_type3A = arith.sitofp %get3A_29 : vector<2x8xi32> to vector<2x8xf32>
    %slice3A_30 = vector.extract_strided_slice %convert_element_type3A {offsets = [0, 0], sizes = [1, 8], strides = [1, 1]} : vector<2x8xf32> to vector<1x8xf32>
    %squeeze3A = vector.shape_cast %slice3A_30 : vector<1x8xf32> to vector<8xf32>
    %broadcast_in_dim3A_31 = vector.shape_cast %squeeze3A : vector<8xf32> to vector<8x1x1xf32>
    %slice3A_32 = vector.extract_strided_slice %convert_element_type3A {offsets = [1, 0], sizes = [1, 8], strides = [1, 1]} : vector<2x8xf32> to vector<1x8xf32>
    %squeeze3A_33 = vector.shape_cast %slice3A_32 : vector<1x8xf32> to vector<8xf32>
    %broadcast_in_dim3A_34 = vector.shape_cast %squeeze3A_33 : vector<8xf32> to vector<8x1x1xf32>
    %iota3A = tpu.iota {dimensions = array<i32: 1>} : vector<8x4x1408xi32>
    %ge3A = arith.constant 2 : i32
    %ge3A_35 = vector.broadcast %ge3A : i32 to vector<8x4x1408xi32>
    %ge3A_36 = arith.cmpi sge, %iota3A, %ge3A_35 : vector<8x4x1408xi32>
    %jit3A = arith.constant 5.000000e-01 : f32
    %jit3A_37 = arith.constant -5.000000e-01 : f32
    %broadcast_in_dim3A_38 = vector.broadcast %jit3A : f32 to vector<8x4x1408xf32>
    %broadcast_in_dim3A_39 = vector.broadcast %jit3A_37 : f32 to vector<8x4x1408xf32>
    %select_n3A = arith.select %ge3A_36, %broadcast_in_dim3A_38, %broadcast_in_dim3A_39 : vector<8x4x1408xi1>, vector<8x4x1408xf32>
    %slice3A_40 = vector.extract_strided_slice %get3A_26 {offsets = [0, 0, 0], sizes = [8, 2, 1408], strides = [1, 1, 1]} : vector<8x4x1408xf32> to vector<8x2x1408xf32>
    %slice3A_41 = vector.extract_strided_slice %get3A_26 {offsets = [0, 0, 0], sizes = [8, 2, 1408], strides = [1, 1, 1]} : vector<8x4x1408xf32> to vector<8x2x1408xf32>
    %concatenate3A = tpu.concatenate %slice3A_40, %slice3A_41 in 1 : vector<8x2x1408xf32>, vector<8x2x1408xf32> -> vector<8x4x1408xf32>
    %slice3A_42 = vector.extract_strided_slice %get3A_26 {offsets = [0, 2, 0], sizes = [8, 2, 1408], strides = [1, 1, 1]} : vector<8x4x1408xf32> to vector<8x2x1408xf32>
    %slice3A_43 = vector.extract_strided_slice %get3A_26 {offsets = [0, 2, 0], sizes = [8, 2, 1408], strides = [1, 1, 1]} : vector<8x4x1408xf32> to vector<8x2x1408xf32>
    %concatenate3A_44 = tpu.concatenate %slice3A_42, %slice3A_43 in 1 : vector<8x2x1408xf32>, vector<8x2x1408xf32> -> vector<8x4x1408xf32>
    %jit3A_45 = arith.constant 2 : i32
    %eq3A = arith.constant 0 : i32
    %eq3A_46 = arith.cmpi eq, %jit3A_45, %eq3A : i32
    %jit3A_47 = arith.constant 1 : i32
    %select_n3A_48 = arith.select %eq3A_46, %jit3A_47, %jit3A_45 : i32
    %rem3A = vector.broadcast %select_n3A_48 : i32 to vector<8x4x1408xi32>
    %rem3A_49 = arith.remsi %iota3A, %rem3A : vector<8x4x1408xi32>
    %ne3A = arith.constant 0 : i32
    %ne3A_50 = vector.broadcast %ne3A : i32 to vector<8x4x1408xi32>
    %ne3A_51 = arith.cmpi ne, %rem3A_49, %ne3A_50 : vector<8x4x1408xi32>
    %lt3A = arith.constant 0 : i32
    %lt3A_52 = vector.broadcast %lt3A : i32 to vector<8x4x1408xi32>
    %lt3A_53 = arith.cmpi slt, %rem3A_49, %lt3A_52 : vector<8x4x1408xi32>
    %lt3A_54 = arith.constant 0 : i32
    %lt3A_55 = arith.cmpi slt, %select_n3A_48, %lt3A_54 : i32
    %ne3A_56 = vector.broadcast %lt3A_55 : i1 to vector<8x4x1408xi1>
    %ne3A_57 = vector.broadcast %ne3A_56 : vector<8x4x1408xi1> to vector<8x4x1408xi1>
    %ne3A_58 = arith.xori %lt3A_53, %ne3A_57 : vector<8x4x1408xi1>
    %and3A = arith.andi %ne3A_58, %ne3A_51 : vector<8x4x1408xi1>
    %add3A_59 = vector.broadcast %select_n3A_48 : i32 to vector<8x4x1408xi32>
    %add3A_60 = arith.addi %rem3A_49, %add3A_59 : vector<8x4x1408xi32>
    %select_n3A_61 = arith.select %and3A, %add3A_60, %rem3A_49 : vector<8x4x1408xi1>, vector<8x4x1408xi32>
    %eq3A_62 = arith.constant 0 : i32
    %eq3A_63 = vector.broadcast %eq3A_62 : i32 to vector<8x4x1408xi32>
    %eq3A_64 = arith.cmpi eq, %select_n3A_61, %eq3A_63 : vector<8x4x1408xi32>
    %broadcast_in_dim3A_65 = vector.shape_cast %broadcast_in_dim3A_34 : vector<8x1x1xf32> to vector<8x1x1xf32>
    %broadcast_in_dim3A_66 = vector.broadcast %broadcast_in_dim3A_65 : vector<8x1x1xf32> to vector<8x4x1408xf32>
    %broadcast_in_dim3A_67 = vector.shape_cast %broadcast_in_dim3A_31 : vector<8x1x1xf32> to vector<8x1x1xf32>
    %broadcast_in_dim3A_68 = vector.broadcast %broadcast_in_dim3A_67 : vector<8x1x1xf32> to vector<8x4x1408xf32>
    %select_n3A_69 = arith.select %eq3A_64, %broadcast_in_dim3A_66, %broadcast_in_dim3A_68 : vector<8x4x1408xi1>, vector<8x4x1408xf32>
    %mul3A_70 = arith.mulf %select_n3A, %concatenate3A_44 : vector<8x4x1408xf32>
    %add3A_71 = arith.addf %concatenate3A, %mul3A_70 : vector<8x4x1408xf32>
    %mul3A_72 = arith.mulf %add3A_71, %select_n3A_69 : vector<8x4x1408xf32>
    %swap3A_73 = arith.constant 0 : index
    %swap3A_74 = arith.constant 0 : index
    %swap3A_75 = arith.constant 0 : index
    %swap3A_76 = vector.load %arg6[%swap3A_73, %swap3A_74, %swap3A_75] : memref<8x4x1408xf32, #tpu.memory_space<vmem>>, vector<8x4x1408xf32>
    tpu.vector_store %arg6[%swap3A_73, %swap3A_74, %swap3A_75], %mul3A_72 {strides = array<i32>} : memref<8x4x1408xf32, #tpu.memory_space<vmem>>, vector<8x4x1408xf32>,
    %broadcast_in_dim3A_77 = arith.constant 1 : i32
    %broadcast_in_dim3A_78 = vector.broadcast %broadcast_in_dim3A_77 : i32 to vector<8x1408xi32>
    %swap3A_79 = arith.constant 0 : index
    %swap3A_80 = arith.constant 0 : index
    %swap3A_81 = vector.load %arg7[%swap3A_79, %swap3A_80] : memref<8x1408xi32, #tpu.memory_space<vmem>>, vector<8x1408xi32>
    tpu.vector_store %arg7[%swap3A_79, %swap3A_80], %broadcast_in_dim3A_78 {strides = array<i32>} : memref<8x1408xi32, #tpu.memory_space<vmem>>, vector<8x1408xi32>,
    return
  }
  func.func @transform_0(%arg0: i32) -> (i32, i32) {
    %c0_i32 = arith.constant 0 : i32
    %c0_i32_0 = arith.constant 0 : i32
    %c0_i32_1 = arith.constant 0 : i32
    return %c0_i32, %c0_i32_0 : i32, i32
  }
  func.func @transform_1(%arg0: i32) -> (i32, i32) {
    %c0_i32 = arith.constant 0 : i32
    %c0_i32_0 = arith.constant 0 : i32
    %c0_i32_1 = arith.constant 0 : i32
    return %c0_i32, %c0_i32_0 : i32, i32
  }
  func.func @transform_2(%arg0: i32) -> (i32, i32, i32) {
    %add3A = arith.constant 5 : i32
    %add3A_0 = arith.addi %arg0, %add3A : i32
    %c0_i32 = arith.constant 0 : i32
    %c0_i32_1 = arith.constant 0 : i32
    %c0_i32_2 = arith.constant 0 : i32
    return %c0_i32, %c0_i32_1, %add3A_0 : i32, i32, i32
  }
  func.func @transform_3(%arg0: i32) -> (i32, i32, i32) {
    %c0_i32 = arith.constant 0 : i32
    %c0_i32_0 = arith.constant 0 : i32
    %c0_i32_1 = arith.constant 0 : i32
    return %c0_i32, %c0_i32_0, %arg0 : i32, i32, i32
  }
  func.func @transform_4(%arg0: i32) -> (i32, i32) {
    %c0_i32 = arith.constant 0 : i32
    %c0_i32_0 = arith.constant 0 : i32
    return %c0_i32, %arg0 : i32, i32
  }
  func.func @transform_5(%arg0: i32) -> (i32, i32, i32) {
    %c0_i32 = arith.constant 0 : i32
    %c0_i32_0 = arith.constant 0 : i32
    %c0_i32_1 = arith.constant 0 : i32
    return %c0_i32, %c0_i32_0, %arg0 : i32, i32, i32
  }
  func.func @transform_6(%arg0: i32) -> (i32, i32) {
    %c0_i32 = arith.constant 0 : i32
    %c0_i32_0 = arith.constant 0 : i32
    return %c0_i32, %arg0 : i32, i32
  }
}

</mosaic_0001>

<sc_bundles>
// kernel: kernel.4.cloned.1.call-start
scs
__scs_entry_jumppad:
0x0: {  	(pc) =	sbr.rel $0x88, $3  }
0x1: {  	(tag) =	ssettag $0x0;
	lr =	simm.s32 $0x1  }
0x2: {  	[smem:$0x3F9D] =	sst lr;
	_ =	strace $0xD0000000  }
0x3: {  	_ = 	snop  }
0x4: {  	_ = 	snop  }
0x5: {  	_ = 	snop  }
0x6: {  	_ = 	snop  }
0x7: {  	_ = 	snop  }
__scs_overlays_trampoline_lowered:
0x8: {  	[smem:$0x3FAC] =	sst s0  }
0x9: {  	[smem:$0x3FAD] =	sst s1  }
0xa: {  	[smem:$0x3FAE] =	sst s2  }
0xb: {  	[smem:$0x3FAF] =	sst s3  }
0xc: {  	[smem:$0x3FB0] =	sst s4  }
0xd: {  	[smem:$0x3FB1] =	sst s5  }
0xe: {  	[smem:$0x3FB2] =	sst s6  }
0xf: {  	[smem:$0x3FB3] =	sst s7  }
0x10: {  	[smem:$0x3FB4] =	sst s8  }
0x11: {  	[smem:$0x3FB5] =	sst s9;
	s0 =	simm.s32 @!p0 $0x0  }
0x12: {  	s1 =	sld [smem:$0x3F9B];
	s0 =	simm.s32 @p0 $0x1  }
0x13: {  	[smem:$0x3FB6] =	sst s0;
	s0 =	simm.s32 @!p1 $0x0  }
0x14: {  	s2 =	sld [smem:$0x3F9A];
	s0 =	simm.s32 @p1 $0x1  }
0x15: {  	[smem:$0x3FB7] =	sst s0;
	s0 =	simm.s32 @!p2 $0x0  }
0x16: {  	s3 =	sld [smem:$0x3FDB];
	s0 =	simm.s32 @p2 $0x1  }
0x17: {  	s4 =	simm.s32 $0x1BF5;
	[smem:$0x3FB9] =	sst s0  }
0x18: {  	s0 =	sld [smem:$0x3F9C];
	_ =	swait.ge [sflag:s4], $0x0  }
0x19: {  	s7 =	sld [smem:$0x3F9D]  }
0x1a: {  	s8 =	sadd.s32 $0xFFFFE003, lr  }
0x1b: {  	s9 =	sadd.s32 $0xFFFFFEF7, lr;
	s5 =	simm.s32 $0xFFFFFFFF;
	p2 =	slt.u32 s8, $0xFFFFF086  }
0x1c: {  	p1 =	slt.u32 s9, $0xF7A;
	s5 =	simm.s32 @!p2 $0x0  }
0x1d: {  	s5 =	simm.s32 @p1 $0x1;
	p0 =	seq.s32 s7, s2  }
0x1e: {  	s7 =	smul.u32 @!p0 $0xF7A, s2;
	p2 =	seq.s32 @!p0 s5, $0x0  }
0x1f: {  	s9 =	smul.u32 $0xF7A, s1;
	s8 =	simm.s32 @!p0 $0x1BF5;
	p2 =	por !p2, p0  }
0x20: {  	[sflag:s8] =	ssyncset.s32 @!p0 $0xFFFFF086;
	s6 =	sadd.s32 @!p0 s3, s7;
	s7 =	simm.s32 @!p0 $0x108  }
0x21: {  	s3 =	sadd.s32 s3, s9;
	s6 =	sadd.s32 @!p0 $0x88, s6;
	s7 =	simm.s32 @p2 $0x1082  }
0x22: {  	[simem:s7], [sflag:s8] =	dma.local @!p0 [hbm:s6], $0xF7A  }
0x23: {  	s9 =	sor.u32 $0xD0000000, s2;
	s6 =	simm.s32 $0x108;
	_ =	swait.ge @!p0 [sflag:s8], $0x0  }
0x24: {  	s3 =	sadd.s32 $0x88, s3;
	s6 =	simm.s32 @!p1 $0x1082;
	[sflag:s4] =	ssyncset.s32 $0xFFFFF086  }
0x25: {  	[simem:s6], [sflag:s4] =	dma.local [hbm:s3], $0xF7A  }
0x26: {  	[smem:$0x3F9D] =	sst s1;
	(tag) =	ssettag s2;
	_ =	strace s9  }
0x27: {  	s1 =	sld [smem:$0x3FAD]  }
0x28: {  	s2 =	sld [smem:$0x3FAE]  }
0x29: {  	s4 =	sld [smem:$0x3FB0]  }
0x2a: {  	p0 =	seq.s32 s5, $0x0;
	s5 =	sld [smem:$0x3FB1]  }
0x2b: {  	s6 =	sld [smem:$0x3FB2]  }
0x2c: {  	s7 =	sld [smem:$0x3FB3]  }
0x2d: {  	s3 =	simm.s32 $0x108;
	s8 =	sld [smem:$0x3FB4]  }
0x2e: {  	s3 =	simm.s32 @!p0 $0x1082;
	s9 =	sld [smem:$0x3FB5]  }
0x2f: {  	lr =	sadd.s32 s0, s3;
	s0 =	sld [smem:$0x3FAC]  }
0x30: {  	s3 =	sld [smem:$0x3FAF]  }
0x31: {  	[smem:$0x3FB8] =	sst s10  }
0x32: {  	s10 =	sld [smem:$0x3FB6];
	_ =	sdelay $0x3  }
0x33: {  	p0 =	seq.s32 s10, $0x1;
	s10 =	sld [smem:$0x3FB8];
	_ =	sdelay $0x3  }
0x34: {  	[smem:$0x3FB8] =	sst s10  }
0x35: {  	s10 =	sld [smem:$0x3FB7];
	_ =	sdelay $0x3  }
0x36: {  	p1 =	seq.s32 s10, $0x1;
	s10 =	sld [smem:$0x3FB8];
	_ =	sdelay $0x3  }
0x37: {  	[smem:$0x3FB8] =	sst s10  }
0x38: {  	s10 =	sld [smem:$0x3FB9]  }
0x39: {  	_ = 	snop;
	(pc) =	sbr.ind lr, $3  }
0x3a: {  	_ = 	snop  }
0x3b: {  	_ = 	snop  }
0x3c: {  	p2 =	seq.s32 s10, $0x1;
	s10 =	sld [smem:$0x3FB8]  }
0x3d: {  	_ =	shalt  }
0x3e: {  	_ =	shalt  }
0x3f: {  	_ =	shalt  }
0x40: {  	_ =	shalt  }
0x41: {  	_ =	shalt  }
0x42: {  	_ =	shalt  }
0x43: {  	_ =	shalt  }
0x44: {  	_ =	shalt  }
0x45: {  	_ =	shalt  }
0x46: {  	_ =	shalt  }
0x47: {  	_ =	shalt  }
0x48: {  	_ =	shalt  }
0x49: {  	_ =	shalt  }
0x4a: {  	_ =	shalt  }
0x4b: {  	_ =	shalt  }
0x4c: {  	_ =	shalt  }
0x4d: {  	_ =	shalt  }
0x4e: {  	_ =	shalt  }
0x4f: {  	_ =	shalt  }
0x50: {  	_ =	shalt  }
0x51: {  	_ =	shalt  }
0x52: {  	_ =	shalt  }
0x53: {  	_ =	shalt  }
0x54: {  	_ =	shalt  }
0x55: {  	_ =	shalt  }
0x56: {  	_ =	shalt  }
0x57: {  	_ =	shalt  }
0x58: {  	_ =	shalt  }
0x59: {  	_ =	shalt  }
0x5a: {  	_ =	shalt  }
0x5b: {  	_ =	shalt  }
0x5c: {  	_ =	shalt  }
0x5d: {  	_ =	shalt  }
0x5e: {  	_ =	shalt  }
0x5f: {  	_ =	shalt  }
0x60: {  	_ =	shalt  }
0x61: {  	_ =	shalt  }
0x62: {  	_ =	shalt  }
0x63: {  	_ =	shalt  }
0x64: {  	_ =	shalt  }
0x65: {  	_ =	shalt  }
0x66: {  	_ =	shalt  }
0x67: {  	_ =	shalt  }
0x68: {  	_ =	shalt  }
0x69: {  	_ =	shalt  }
0x6a: {  	_ =	shalt  }
0x6b: {  	_ =	shalt  }
0x6c: {  	_ =	shalt  }
0x6d: {  	_ =	shalt  }
0x6e: {  	_ =	shalt  }
0x6f: {  	_ =	shalt  }
0x70: {  	_ =	shalt  }
0x71: {  	_ =	shalt  }
0x72: {  	_ =	shalt  }
0x73: {  	_ =	shalt  }
0x74: {  	_ =	shalt  }
0x75: {  	_ =	shalt  }
0x76: {  	_ =	shalt  }
0x77: {  	_ =	shalt  }
0x78: {  	_ =	shalt  }
0x79: {  	_ =	shalt  }
0x7a: {  	_ =	shalt  }
0x7b: {  	_ =	shalt  }
0x7c: {  	_ =	shalt  }
0x7d: {  	_ =	shalt  }
0x7e: {  	_ =	shalt  }
0x7f: {  	_ =	shalt  }
0x80: {  	_ =	shalt  }
0x81: {  	_ =	shalt  }
0x82: {  	_ =	shalt  }
0x83: {  	_ =	shalt  }
0x84: {  	_ =	shalt  }
0x85: {  	_ =	shalt  }
0x86: {  	_ =	shalt  }
0x87: {  	_ =	shalt  }
.Lfunc_end0:
.L_simem_size_0:
called_computation_lowered:
.L_overlay_start_0:
0x88: {  	s2 =	sld [smem:$0x3FD9]  }
0x89: {  	s3 =	sld [smem:$0x3FFE];
	_ =	sdelay $0x1  }
0x8a: {  	s1 =	srdreg.scid  }
0x8b: {  	s0 =	sand.u32 $0x1, s1  }
0x8c: {  	s14 =	sshll.u32 s0, $0xA;
	s2 =	sadd.s32 s3, s2  }
0x8d: {  	s2 =	sadd.s32 s2, s14  }
0x8e: {  	[smem:$0x3FC4] =	sst s2  }
0x8f: {  	_ = 	snop  }
0x90: {  	s2 =	sld [smem:$0x3FD0];
	_ =	sdelay $0x2  }
0x91: {  	s4 =	simm.s32 $0xA;
	s5 =	simm.s32 $0x10;
	s15 =	sld [smem:$0x3FC9]  }
0x92: {  	[smem:s5], [sflag:s4] =	dma.local [hbm:s2], $0x1  }
0x93: {  	_ =	swait.eq [sflag:s4], $0x1  }
0x94: {  	[sflag:s4] =	ssyncset.done $0x0  }
0x95: {  	[sflag:s4] =	ssyncadd.s32 $0xFFFFFFFF  }
0x96: {  	s16 =	sld [smem:$0x10];
	(tm) =	ssettm $0x1  }
0x97: {  	s17 =	sld [smem:$0x3FFB];
	_ =	sdelay $0x3  }
0x98: {  	_ =	strace s17  }
0x99: {  	s4 =	sld [smem:$0x3FFC];
	_ =	sdelay $0x3  }
0x9a: {  	_ =	strace s4  }
0x9b: {  	s4 =	sld [smem:$0x3FFD];
	_ =	sdelay $0x3  }
0x9c: {  	_ =	strace s4  }
0x9d: {  	_ =	strace $0x8FFFFFFF  }
0x9e: {  	s18 =	sld [smem:$0x3FDB];
	_ =	sdelay $0x1  }
0x9f: {  	s19 =	simm.s32 $_scs_section_size  }
0xa0: {  	s6 =	simm.s32 $_size__tile_overlayer_lowered;
	s7 =	simm.s32 $_tile_overlayer_lowered  }
0xa1: {  	s22 =	simm.s32 $0x1BFF;
	s21 =	sshll.u32 s7, $0x1;
	s4 =	sadd.s32 s19, s18  }
0xa2: {  	s8 =	simm.s32 $0x0;
	s20 =	sshll.u32 s6, $0x1;
	s6 =	sadd.s32 s21, s4  }
0xa3: {  	[timem:s8], [sflag:s22] =	dma.local [hbm:s6], s20  }
0xa4: {  	_ =	swait.ge [sflag:s22], s20  }
0xa5: {  	s5 =	ssub.s32 $0x0, s20;
	[sflag:s22] =	ssyncset.done $0x0  }
0xa6: {  	[sflag:s22] =	ssyncadd.s32 s5;
	_ =	sdelay $0x1  }
0xa7: {  	s23 =	simm.s32 $0x1B8B  }
0xa8: {  	_ =	swait.ge [sflag:s23], $0x1  }
0xa9: {  	[sflag:s23] =	ssyncset.done $0x0  }
0xaa: {  	s25 =	simm.s32 $0x1B8E;
	s24 =	sld [smem:$0x3FFE];
	[sflag:s23] =	ssyncadd.s32 $0xFFFFFFFF  }
0xab: {  	s26 =	simm.s32 $execute0_lowered;
	[smem:$0x3FD2] =	sst s25  }
0xac: {  	s6 =	sshll.u32 s26, $0x1;
	_ =	strace $0x80000046;
	[dreg:$0x1] =	wrdreg $0xFFFFFFFF  }
0xad: {  	s28 =	simm.s32 $_size_execute0_lowered;
	s4 =	sadd.s32 s4, s6;
	[dreg:$0x0] =	wrdreg $0x0  }
0xae: {  	s6 =	sshll.u32 s28, $0x1;
	[dreg:$0x2] =	wrdreg s4  }
0xaf: {  	[dreg:$0x3] =	wrdreg s6  }
0xb0: {  	[dreg:$0x4] =	wrdreg $0xC0  }
0xb1: {  	_ =	task [dreg:s8], $0x5FFFF  }
0xb2: {  	[dreg:$0x1] =	wrdreg $0xFFFFFFFF  }
0xb3: {  	[dreg:$0x0] =	wrdreg $0x60  }
0xb4: {  	[dreg:$0x2] =	wrdreg s15  }
0xb5: {  	[dreg:$0x3] =	wrdreg s16  }
0xb6: {  	[dreg:$0x4] =	wrdreg s24  }
0xb7: {  	[dreg:$0x5] =	wrdreg $0x9  }
0xb8: {  	_ =	task.clear_ibuf [dreg:s8], $0x6FFFF;
	_ =	strace $0x90000046  }
0xb9: {  	s29 =	simm.s32 $0x9;
	_ =	strace $0x80000048  }
0xba: {  	_ =	swait.ge [sflag:s29], $0x1  }
0xbb: {  	[sflag:s29] =	ssyncadd.s32 $0xFFFFFFFF  }
0xbc: {  	_ =	strace $0x90000048  }
0xbd: {  	_ =	sfence  }
0xbe: {  	s30 =	sld [smem:$0x0];
	_ =	sdelay $0x2  }
0xbf: {  	s31 =	sshll.u32 s1, $0xD;
	s1 =	sshrl.u32 s1, $0x2  }
0xc0: {  	s3 =	sand.u32 $0x4000, s31;
	s1 =	sadd.s32 s1, s30  }
0xc1: {  	s0 =	sor.u32 s3, s0;
	s1 =	sshll.u32 s1, $0x11  }
0xc2: {  	s0 =	sor.u32 s1, s0  }
0xc3: {  	s0 =	sadd.s32 $0x8F2B, s0  }
0xc4: {  	[sflag:s0] =	ssyncadd.remote.s32 $0x1  }
0xc5: {  	_ =	sfence.sel $0xFFFF  }
0xc6: {  	[dreg:$0x0] =	wrdreg $0xFFFFFFFF;
	(pc) =	sbr.abs _section_cstart, $3  }
0xc7: {  	[dreg:$0x1] =	wrdreg $0xFFFFFFFF  }
0xc8: {  	_ =	task.clear_ibuf [dreg:s8], $0x2FFFF;
	_ =	strace $0x9FFFFFFF  }
0xc9: {  	(tm) =	ssettm $0x7FFFFFFF  }
tec
execute0_lowered:
.L_overlay_start_1:
0x0: {  	(tag) =	ssettag $0x1  }
0x1: {  	s9 =	rddreg [dreg:$0x0]  }
0x2: {  	s1 =	rddreg [dreg:$0x1]  }
0x3: {  	s5 =	rddreg [dreg:$0x2]  }
0x4: {  	s0 =	rddreg [dreg:$0x3]  }
0x5: {  	s3 =	simm.s32 $0x0;
	s4 =	srdreg.scid;
	s2 =	stileid.u32  }
0x6: {  	s12 =	simm.s32 $0x4;
	s13 =	simm.s32 $0x400;
	s14 =	simm.s32 $0x27400  }
0x7: {  	s15 =	simm.s32 $0xC400;
	s16 =	simm.s32 $0x1;
	s17 =	simm.s32 $0x2  }
0x8: {  	s18 =	simm.s32 $0x3;
	s19 =	simm.s32 $0x0;
	[smem:$0x7FF] =	sst s3  }
0x9: {  	s4 =	sand.u32 $0x1, s4;
	s6 =	sshll.u32 s2, $0x9;
	p0 =	sgt.u32 s2, $0x9  }
.Ltmp0:
0xa: {  	s7 =	sshll.u32 s4, $0x8;
	s8 =	ssub.s32 $0x2, s4;
	(pc) =	sbr.rel .LBB2_1-.Ltmp0, $4  }
0xb: {  	_ =	strace $0x80000047;
	s4 =	sor.u32 s7, s6;
	s31 =	sshrl.u32 s8, $0x1  }
0xc: {  	s6 =	sadd.s32 $0xF0680, s9;
	s10 =	sadd.s32 s4, s5;
	s5 =	sadd.s32 s9, s4  }
0xd: {  	s11 =	ssub.s32 s8, s31;
	s9 =	sadd.s32 $0xF0700, s9;
	s7 =	sadd.s32 $0x80, s5  }
0xe: {  	s8 =	sadd.s32 $0xA00, s10;
	s10 =	smax.u32 s11, $0x1;
	s11 =	simm.s32 $0x17800  }
.LBB2_17:
0xf: {  	s19 =	sadd.s32 $0x1, s19  }
0x10: {  	p1 =	sne.s32 s19, s10  }
.Ltmp1:
0x11: {  	_ = 	snop;
	(pc) =	sbr.rel @!p1 .LBB2_18-.Ltmp1, $1  }
0x12: {  	_ =	sdelay $0x3  }
.LBB2_1:
0x13: {  	[tilespmem:s11], [sflag:$0x4] =	stream.linear.gather [hbm4b:s1+s3], $0x400, $0x38;
	[tilespmem:$0x1AC00] =	vst v63  }
0x14: {  	_ =	swait.ge [sflag:s12], $0x400  }
0x15: {  	[sflag:s12] =	ssyncset.done $0x0  }
0x16: {  	s20 =	simm.s32 $0x17F00;
	s21 =	simm.s32 $0x0;
	[sflag:s12] =	ssyncadd.s32 $0xFFFFFC00  }
.LBB2_2:
0x17: {  	s22 =	sshll.u32 s21, $0x7  }
0x18: {  	s22 =	sand.u32 $0x3FFFFF80, s22  }
0x19: {  	v0 =	vld [tilespmem:s22+$0x17800]  }
0x1a: {  	v1 =	vld [tilespmem:s22+$0x17810]  }
0x1b: {  	v2 =	vld [tilespmem:s22+$0x17820]  }
0x1c: {  	v3 =	vld [tilespmem:s22+$0x17830]  }
0x1d: {  	v4 =	vld [tilespmem:s22+$0x17840]  }
0x1e: {  	v5 =	vld [tilespmem:s22+$0x1784B];
	v0 =	vsub.f32 $0.0e+00, v0  }
0x1f: {  	v1 =	vsub.f32 $0.0e+00, v1  }
0x20: {  	v2 =	vsub.f32 $0.0e+00, v2;
	v0 =	vmul.f32 $1.442695020e+00, v0  }
0x21: {  	v3 =	vsub.f32 $0.0e+00, v3;
	v1 =	vmul.f32 $1.442695020e+00, v1  }
0x22: {  	(erf) = vpow2.f32 v0;
	v0 =	vmul.f32 $1.442695020e+00, v2;
	v2 =	vsub.f32 $0.0e+00, v4  }
0x23: {  	(erf) = vpow2.f32 v1;
	v1 =	vmul.f32 $1.442695020e+00, v3;
	v3 =	vsub.f32 $0.0e+00, v5  }
0x24: {  	(erf) = vpow2.f32 v0;
	v0 =	vmul.f32 $1.442695020e+00, v2  }
0x25: {  	(erf) = vpow2.f32 v1;
	v1 =	vmul.f32 $1.442695020e+00, v3  }
0x26: {  	(erf) = vpow2.f32 v0  }
0x27: {  	(erf) = vpow2.f32 v1;
	_ =	sdelay $0x3  }
0x28: {  	v0 =	vpop (erf)  }
0x29: {  	v2 =	vpop (erf)  }
0x2a: {  	v3 =	vpop (erf)  }
0x2b: {  	s31 =	simm.s32 $0x0;
	v7 =	vpop (erf)  }
0x2c: {  	v1 =	vmov s31;
	v8 =	vpop (erf)  }
0x2d: {  	v5 =	vand.u32 $0xF, v1;
	v0 =	vadd.f32 $1.000000000e+00, v0;
	v4 =	vpop (erf)  }
0x2e: {  	v6 =	vadd.f32 $1.000000000e+00, v3;
	v1 =	vadd.f32 $1.000000000e+00, v4;
	v4 =	vbroadcast v5, $0x0  }
0x2f: {  	v3 =	vadd.f32 $1.000000000e+00, v8;
	v5 =	vadd.f32 $1.000000000e+00, v2  }
0x30: {  	v2 =	vadd.f32 $1.000000000e+00, v7;
	v7 =	vperm.xlane v0, v4;
	v10 =	vperm.xlane v1, v4  }
0x31: {  	s23 =	simm.s32 $0x1;
	s22 =	smov.u32 s20;
	v9 =	vperm.xlane v5, v4;
	v8 =	vperm.xlane v6, v4  }
.LBB2_3:
0x32: {  	v11 =	vmov s23;
	p1 =	sne.s32 s23, $0xF;
	s23 =	sadd.s32 $0x1, s23;
	v12 =	vperm.xlane v2, v4;
	v13 =	vperm.xlane v3, v4;
	[tilespmem:s22+$0x1B0] =	vst v10  }
.Ltmp2:
0x33: {  	v4 =	vand.u32 $0xF, v11;
	[tilespmem:s22+$0xFFFFFD00] =	vst v7;
	(pc) =	sbr.rel @p1 .LBB2_3-.Ltmp2, $4  }
0x34: {  	v4 =	vbroadcast v4, $0x0;
	[tilespmem:s22+$0xFFFFFE00] =	vst v9  }
0x35: {  	[tilespmem:s22+$0xFFFFFF00] =	vst v8  }
0x36: {  	v7 =	vperm.xlane v0, v4;
	v10 =	vperm.xlane v1, v4;
	[tilespmem:s22+$0x0] =	vst v12  }
0x37: {  	v9 =	vperm.xlane v5, v4;
	v8 =	vperm.xlane v6, v4;
	[tilespmem:s22+$0x100] =	vst v13;
	s22 =	sadd.s32 $0x10, s22  }
0x38: {  	s21 =	sadd.s32 $0x1, s21  }
0x39: {  	[tilespmem:s22+$0x1B0] =	vst v10;
	p1 =	sne.s32 s21, $0x8  }
.Ltmp3:
0x3a: {  	[tilespmem:s22+$0xFFFFFD00] =	vst v7;
	(pc) =	sbr.rel @p1 .LBB2_2-.Ltmp3, $4  }
0x3b: {  	v0 =	vperm.xlane v2, v4;
	[tilespmem:s22+$0xFFFFFE00] =	vst v9  }
0x3c: {  	v1 =	vperm.xlane v3, v4;
	[tilespmem:s22+$0xFFFFFF00] =	vst v8  }
0x3d: {  	[tilespmem:s22+$0x0] =	vst v0  }
0x3e: {  	s20 =	sadd.s32 $0x600, s20;
	[tilespmem:s22+$0x100] =	vst v1  }
.Ltmp4:
0x3f: {  	(pc) =	sbr.rel @p0 .LBB2_17-.Ltmp4, $1  }
0x40: {  	_ =	sdelay $0x3  }
0x41: {  	s20 =	simm.s32 $0x0;
	p2 =	por $0x1, $0x1;
	s21 =	smov.u32 s6  }
0x42: {  	[tilespmem:s20], [sflag:$0x1] =	stream.strided.gather [hbm4b:s5+s13], $0xC400, s14, s13, $0x38;
	[tilespmem:$0x1AC00] =	vst v63  }
.LBB2_7:
0x43: {  	s21 =	sadd.s32 s4, s21  }
0x44: {  	[tilespmem:s15], [sflag:$0x2] =	stream.strided.gather [hbm4b:s21+s13], $0xA800, s14, s13, $0x38;
	[tilespmem:$0x1AC00] =	vst v63  }
0x45: {  	_ =	swait.ge [sflag:s16], $0xC400  }
0x46: {  	p1 =	por p2, p2;
	s22 =	simm.s32 $0x40;
	[sflag:s16] =	ssyncset.done $0x0  }
0x47: {  	s23 =	simm.s32 $0x0;
	s21 =	simm.s32 $0x17C00;
	[sflag:s16] =	ssyncadd.s32 $0xFFFF3C00  }
.LBB2_8:
0x48: {  	v0 =	vld [tilespmem:s22+$0x30]  }
0x49: {  	v1 =	vld [tilespmem:s22+$0xFFFFFFC0];
	_ =	sdelay $0x2  }
0x4a: {  	v2 =	vld [tilespmem:s22+$0xFFFFFFD0]  }
0x4b: {  	v3 =	vld [tilespmem:s22+$0xFFFFFFE0];
	v0 =	vsub.f32 $0.0e+00, v0  }
0x4c: {  	v4 =	vld [tilespmem:s22+$0xFFFFFFF0];
	v1 =	vsub.f32 $0.0e+00, v1  }
0x4d: {  	v5 =	vmul.f32 $1.442695020e+00, v0  }
0x4e: {  	v6 =	vld [tilespmem:s22+$0x0];
	v1 =	vmul.f32 $1.442695020e+00, v1  }
0x4f: {  	v2 =	vsub.f32 $0.0e+00, v2;
	(erf) = vpow2.f32 v5;
	v5 =	vld [tilespmem:s22+$0x10]  }
0x50: {  	v3 =	vsub.f32 $0.0e+00, v3;
	(erf) = vpow2.f32 v1;
	v1 =	vld [tilespmem:s22+$0x20]  }
0x51: {  	v4 =	vsub.f32 $0.0e+00, v4;
	v0 =	vmov s21;
	v2 =	vmul.f32 $1.442695020e+00, v2  }
0x52: {  	s30 =	sadd.s32 $0x400, s22;
	v3 =	vmul.f32 $1.442695020e+00, v3  }
0x53: {  	v8 =	vld [tilespmem:s30+$0xFFFFFFD0];
	v4 =	vmul.f32 $1.442695020e+00, v4;
	(erf) = vpow2.f32 v2  }
0x54: {  	(erf) = vpow2.f32 v3;
	v3 =	vsub.f32 $0.0e+00, v6;
	v6 =	vld [tilespmem:s30+$0xFFFFFFC0]  }
0x55: {  	s24 =	simm.s32 $0x0;
	(erf) = vpow2.f32 v4;
	v4 =	vsub.f32 $0.0e+00, v5;
	v5 =	vld [tilespmem:s30+$0x30];
	v1 =	vsub.f32 $0.0e+00, v1  }
0x56: {  	v2 =	vld.idx.msk [tilespmem:v0+s24+$0x0 ss:$0x1], $0xffff  }
0x57: {  	v3 =	vmul.f32 $1.442695020e+00, v3  }
0x58: {  	v11 =	vld [tilespmem:s30+$0x0];
	v8 =	vsub.f32 $0.0e+00, v8;
	v4 =	vmul.f32 $1.442695020e+00, v4;
	v7 =	vmul.f32 $1.442695020e+00, v1  }
0x59: {  	v6 =	vsub.f32 $0.0e+00, v6;
	v1 =	vpop (erf);
	(erf) = vpow2.f32 v3;
	v3 =	vld [tilespmem:s30+$0xFFFFFFE0]  }
0x5a: {  	v8 =	vmul.f32 $1.442695020e+00, v8;
	v5 =	vsub.f32 $0.0e+00, v5;
	(erf) = vpow2.f32 v4;
	v4 =	vld [tilespmem:s30+$0xFFFFFFF0]  }
0x5b: {  	v13 =	vld [tilespmem:s30+$0x10];
	v6 =	vmul.f32 $1.442695020e+00, v6;
	v9 =	vmul.f32 v1, v2;
	v10 =	vpop (erf)  }
0x5c: {  	v15 =	vld [tilespmem:s30+$0x20];
	(erf) = vpow2.f32 v7;
	v7 =	vpop (erf);
	v5 =	vmul.f32 $1.442695020e+00, v5  }
0x5d: {  	v10 =	vmul.f32 v10, v2;
	v7 =	vmul.f32 v7, v2;
	v12 =	vpop (erf)  }
0x5e: {  	v12 =	vmul.f32 v12, v2;
	(erf) = vpow2.f32 v5;
	v3 =	vsub.f32 $0.0e+00, v3  }
0x5f: {  	v5 =	vsub.f32 $0.0e+00, v11;
	(erf) = vpow2.f32 v6;
	v4 =	vsub.f32 $0.0e+00, v4  }
0x60: {  	v6 =	vsub.f32 $0.0e+00, v13;
	(erf) = vpow2.f32 v8;
	v3 =	vmul.f32 $1.442695020e+00, v3  }
0x61: {  	v5 =	vmul.f32 $1.442695020e+00, v5;
	v8 =	vsub.f32 $0.0e+00, v15;
	v4 =	vmul.f32 $1.442695020e+00, v4  }
0x62: {  	s24 =	sadd.s32 $0x400, s30;
	(erf) = vpow2.f32 v3;
	v3 =	vmul.f32 $1.442695020e+00, v6  }
0x63: {  	s25 =	simm.s32 $0x10;
	v6 =	vadd.f32 v7, v2;
	v7 =	vmul.f32 $1.442695020e+00, v8;
	v8 =	vadd.f32 v12, v2;
	v12 =	vld [tilespmem:s24+$0x30]  }
0x64: {  	v1 =	vimm.f32 $+Inf;
	v9 =	vadd.f32 v9, v2;
	v14 =	vpop (erf);
	v11 =	vld.idx.msk [tilespmem:v0+s25+$0x0 ss:$0x1], $0xffff;
	(erf) = vpow2.f32 v4  }
0x65: {  	v10 =	vadd.f32 v10, v2;
	v14 =	vmul.f32 v14, v2;
	v15 =	vld [tilespmem:s24+$0xFFFFFFD0];
	(erf) = vpow2.f32 v5;
	v4 =	vpop (erf)  }
0x66: {  	v13 =	vmin.f32 v1, v9;
	(erf) = vpow2.f32 v3;
	v3 =	vmul.f32 v4, v2  }
0x67: {  	v10 =	vmin.f32 v1, v10;
	v5 =	vpop (erf);
	v4 =	vadd.f32 v14, v2;
	(erf) = vpow2.f32 v7  }
0x68: {  	v14 =	vld [tilespmem:s24+$0xFFFFFFC0];
	v5 =	vmul.f32 v5, v2;
	v7 =	vpop (erf);
	v12 =	vsub.f32 $0.0e+00, v12;
	v3 =	vadd.f32 v3, v2  }
0x69: {  	v9 =	vmul.f32 v7, v2;
	v16 =	vpop (erf);
	v7 =	vmin.f32 v1, v8;
	v8 =	vmin.f32 v1, v4;
	v4 =	vld [tilespmem:s24+$0xFFFFFFE0]  }
0x6a: {  	v19 =	vld [tilespmem:s24+$0xFFFFFFF0];
	v15 =	vsub.f32 $0.0e+00, v15;
	v17 =	vadd.f32 v5, v2;
	v16 =	vmul.f32 v16, v11  }
0x6b: {  	v18 =	vpop (erf);
	v12 =	vmul.f32 $1.442695020e+00, v12;
	v5 =	vmin.f32 v1, v3;
	v9 =	vadd.f32 v9, v2  }
0x6c: {  	v2 =	vmul.f32 v18, v11;
	v18 =	vpop (erf);
	v3 =	vmin.f32 v1, v17;
	v17 =	vld [tilespmem:s24+$0x0];
	v16 =	vadd.f32 v16, v11  }
0x6d: {  	v21 =	vld [tilespmem:s24+$0x10];
	v18 =	vmul.f32 v18, v11;
	v14 =	vsub.f32 $0.0e+00, v14;
	(erf) = vpow2.f32 v12  }
0x6e: {  	v24 =	vld [tilespmem:s24+$0x20];
	v22 =	vadd.f32 v2, v11;
	v2 =	vmin.f32 v13, v16;
	v4 =	vsub.f32 $0.0e+00, v4  }
0x6f: {  	v20 =	vpop (erf);
	v13 =	vmul.f32 $1.442695020e+00, v14;
	v14 =	vmul.f32 $1.442695020e+00, v15;
	v15 =	vsub.f32 $0.0e+00, v19  }
0x70: {  	v6 =	vmin.f32 v1, v6;
	v20 =	vmul.f32 v20, v11;
	v4 =	vmul.f32 $1.442695020e+00, v4  }
0x71: {  	v23 =	vpop (erf);
	(erf) = vpow2.f32 v13;
	v13 =	vmul.f32 $1.442695020e+00, v15;
	v12 =	vsub.f32 $0.0e+00, v17  }
0x72: {  	v16 =	vmul.f32 v23, v11;
	v15 =	vsub.f32 $0.0e+00, v21;
	(erf) = vpow2.f32 v14  }
0x73: {  	v14 =	vsub.f32 $0.0e+00, v24;
	(erf) = vpow2.f32 v4;
	v12 =	vmul.f32 $1.442695020e+00, v12  }
0x74: {  	s31 =	simm.s32 $0x20;
	v10 =	vmin.f32 v10, v22;
	v17 =	vmul.f32 $1.442695020e+00, v15;
	(erf) = vpow2.f32 v13  }
0x75: {  	v15 =	vadd.f32 v18, v11;
	v4 =	vld.idx.msk [tilespmem:v0+s31+$0x0 ss:$0x1], $0xffff;
	v18 =	vmul.f32 $1.442695020e+00, v14;
	v13 =	vpop (erf);
	(erf) = vpow2.f32 v12  }
0x76: {  	s26 =	sadd.s32 $0x400, s24;
	v16 =	vadd.f32 v16, v11;
	v19 =	vpop (erf);
	(erf) = vpow2.f32 v17;
	v17 =	vmul.f32 v13, v11  }
0x77: {  	s28 =	simm.s32 $0x100;
	s25 =	simm.s32 $0xC0;
	s24 =	sshll.u32 s23, $0x9;
	v14 =	vadd.f32 v20, v11;
	v13 =	vld [tilespmem:s26+$0x30];
	v12 =	vpop (erf);
	(erf) = vpow2.f32 v18;
	v18 =	vmul.f32 v19, v11  }
.LBB2_9:
0x78: {  	p2 =	sne.s32 s28, $0xC00;
	v19 =	vld [tilespmem:s26+$0xFFFFFFC0];
	v6 =	vmin.f32 v6, v15;
	v15 =	vadd.f32 v17, v11;
	v12 =	vmul.f32 v12, v11  }
0x79: {  	v7 =	vmin.f32 v7, v14;
	v8 =	vmin.f32 v8, v16;
	v17 =	vld [tilespmem:s26+$0xFFFFFFD0];
	v20 =	vpop (erf);
	v14 =	vadd.f32 v18, v11  }
0x7a: {  	v16 =	vld [tilespmem:s26+$0xFFFFFFE0];
	v18 =	vmul.f32 v20, v4;
	v20 =	vpop (erf);
	v5 =	vmin.f32 v5, v15;
	v11 =	vadd.f32 v12, v11  }
0x7b: {  	v1 =	vmin.f32 v1, v9;
	v12 =	vld [tilespmem:s26+$0xFFFFFFF0];
	v23 =	vmul.f32 v20, v4;
	v20 =	vpop (erf);
	v3 =	vmin.f32 v3, v14  }
0x7c: {  	v9 =	vld [tilespmem:s26+$0x0];
	v13 =	vsub.f32 $0.0e+00, v13;
	v14 =	vmul.f32 v20, v4;
	v24 =	vadd.f32 v18, v4;
	v20 =	vpop (erf)  }
0x7d: {  	v19 =	vsub.f32 $0.0e+00, v19;
	v21 =	vld [tilespmem:s26+$0x10];
	v22 =	vadd.f32 v23, v4;
	v20 =	vmul.f32 v20, v4;
	v15 =	vpop (erf)  }
0x7e: {  	v17 =	vsub.f32 $0.0e+00, v17;
	v23 =	vld [tilespmem:s26+$0x20];
	v13 =	vmul.f32 $1.442695020e+00, v13;
	v2 =	vmin.f32 v2, v24;
	v18 =	vpop (erf)  }
0x7f: {  	v24 =	vmul.f32 v15, v4;
	v19 =	vmul.f32 $1.442695020e+00, v19;
	v16 =	vsub.f32 $0.0e+00, v16;
	v25 =	vpop (erf)  }
0x80: {  	v15 =	vmul.f32 $1.442695020e+00, v17;
	v17 =	vsub.f32 $0.0e+00, v12;
	(erf) = vpow2.f32 v13;
	v12 =	vpop (erf)  }
0x81: {  	v13 =	vmul.f32 $1.442695020e+00, v16;
	v16 =	vsub.f32 $0.0e+00, v9;
	(erf) = vpow2.f32 v19;
	v9 =	vmovc v11;
	v11 =	vmovc v4  }
0x82: {  	v17 =	vmul.f32 $1.442695020e+00, v17;
	v19 =	vsub.f32 $0.0e+00, v21;
	(erf) = vpow2.f32 v15  }
.Ltmp5:
0x83: {  	s29 =	sshra.s32 s25, $0x2;
	s25 =	smov.u32 s28;
	v16 =	vmul.f32 $1.442695020e+00, v16;
	v21 =	vsub.f32 $0.0e+00, v23;
	(erf) = vpow2.f32 v13;
	(pc) =	sbr.rel @p2 .LBB2_9-.Ltmp5, $4  }
0x84: {  	v15 =	vadd.f32 v14, v11;
	v4 =	vld.idx.msk [tilespmem:v0+s29+$0x0 ss:$0x1], $0xffff;
	v13 =	vmul.f32 $1.442695020e+00, v19;
	(erf) = vpow2.f32 v17  }
0x85: {  	v14 =	vadd.f32 v20, v11;
	v19 =	vmul.f32 $1.442695020e+00, v21;
	(erf) = vpow2.f32 v16  }
0x86: {  	s26 =	sadd.s32 $0x400, s26;
	v17 =	vmul.f32 v18, v11;
	v16 =	vadd.f32 v24, v11;
	(erf) = vpow2.f32 v13  }
0x87: {  	s28 =	sadd.s32 $0x40, s28;
	v10 =	vmin.f32 v10, v22;
	v18 =	vmul.f32 v25, v11;
	v13 =	vld [tilespmem:s26+$0x30];
	(erf) = vpow2.f32 v19  }
0x88: {  	v19 =	vld [tilespmem:s26+$0xFFFFFFC0]  }
0x89: {  	v20 =	vld [tilespmem:s26+$0xFFFFFFD0]  }
0x8a: {  	v6 =	vmin.f32 v6, v15;
	v62 =	vadd.f32 v17, v11;
	v63 =	vld [tilespmem:s26+$0xFFFFFFE0]  }
0x8b: {  	v12 =	vmul.f32 v12, v11;
	v7 =	vmin.f32 v7, v14;
	v8 =	vmin.f32 v8, v16;
	v24 =	vld [tilespmem:s26+$0xFFFFFFF0]  }
0x8c: {  	v27 =	vld [tilespmem:s26+$0x0];
	v1 =	vmin.f32 v1, v9;
	v21 =	vpop (erf);
	v25 =	vadd.f32 v18, v11;
	v13 =	vsub.f32 $0.0e+00, v13  }
0x8d: {  	v30 =	vld [tilespmem:s26+$0x10];
	v26 =	vmul.f32 v21, v4;
	v22 =	vpop (erf);
	v28 =	vadd.f32 v12, v11;
	v29 =	vsub.f32 $0.0e+00, v19  }
0x8e: {  	v23 =	vld [tilespmem:s26+$0x20];
	v31 =	vmul.f32 v22, v4;
	v32 =	vpop (erf);
	v20 =	vsub.f32 $0.0e+00, v20;
	v13 =	vmul.f32 $1.442695020e+00, v13  }
0x8f: {  	v22 =	vmul.f32 v32, v4;
	v17 =	vsub.f32 $0.0e+00, v63;
	v12 =	vmul.f32 $1.442695020e+00, v29  }
0x90: {  	v14 =	vsub.f32 $0.0e+00, v24;
	v20 =	vmul.f32 $1.442695020e+00, v20;
	(erf) = vpow2.f32 v13  }
0x91: {  	v34 =	vsub.f32 $0.0e+00, v27;
	v33 =	vmul.f32 $1.442695020e+00, v17;
	(erf) = vpow2.f32 v12  }
0x92: {  	v36 =	vsub.f32 $0.0e+00, v30;
	v35 =	vmul.f32 $1.442695020e+00, v14;
	(erf) = vpow2.f32 v20  }
0x93: {  	v38 =	vsub.f32 $0.0e+00, v23;
	v37 =	vmul.f32 $1.442695020e+00, v34;
	(erf) = vpow2.f32 v33  }
0x94: {  	v5 =	vmin.f32 v5, v62;
	v39 =	vpop (erf);
	v14 =	vmul.f32 $1.442695020e+00, v36;
	(erf) = vpow2.f32 v35  }
0x95: {  	s25 =	sshra.s32 s25, $0x2;
	v3 =	vmin.f32 v3, v25;
	v40 =	vpop (erf);
	v41 =	vmul.f32 $1.442695020e+00, v38;
	(erf) = vpow2.f32 v37  }
0x96: {  	v0 =	vld.idx.msk [tilespmem:v0+s25+$0x0 ss:$0x1], $0xffff;
	v42 =	vadd.f32 v26, v4;
	v1 =	vmin.f32 v1, v28;
	v43 =	vpop (erf);
	(erf) = vpow2.f32 v14  }
0x97: {  	v44 =	vadd.f32 v31, v4;
	v9 =	vmul.f32 v40, v4;
	v45 =	vpop (erf);
	(erf) = vpow2.f32 v41  }
0x98: {  	v47 =	vadd.f32 v22, v4;
	v16 =	vmul.f32 v43, v4;
	v13 =	vmul.f32 v39, v4;
	v46 =	vpop (erf)  }
0x99: {  	v10 =	vmin.f32 v10, v44;
	v9 =	vadd.f32 v9, v4;
	v48 =	vmul.f32 v45, v4;
	v49 =	vpop (erf)  }
0x9a: {  	v6 =	vmin.f32 v6, v47;
	v16 =	vadd.f32 v16, v4;
	v13 =	vadd.f32 v13, v4;
	v50 =	vpop (erf)  }
0x9b: {  	v12 =	vmul.f32 v46, v4;
	v8 =	vmin.f32 v8, v9;
	v51 =	vmul.f32 v50, v0;
	v52 =	vpop (erf)  }
0x9c: {  	v5 =	vmin.f32 v5, v16;
	v7 =	vmin.f32 v7, v13;
	v13 =	vmul.f32 v52, v0;
	v53 =	vpop (erf)  }
0x9d: {  	v56 =	vadd.f32 v12, v4;
	v9 =	vadd.f32 v51, v0;
	v54 =	vmul.f32 v53, v0;
	v55 =	vpop (erf)  }
0x9e: {  	v14 =	vadd.f32 v48, v4;
	v57 =	vpop (erf);
	v18 =	vmul.f32 v55, v0;
	v13 =	vadd.f32 v13, v0  }
0x9f: {  	s24 =	sshrl.u32 s24, $0x2;
	v58 =	vpop (erf);
	v16 =	vadd.f32 v54, v0;
	v12 =	vmul.f32 v57, v0;
	v9 =	vmin.f32 v10, v9  }
0xa0: {  	v59 =	vpop (erf);
	v18 =	vadd.f32 v18, v0;
	v19 =	vmul.f32 v58, v0;
	v6 =	vmin.f32 v6, v13;
	[tilespmem:s24+$0x16C00] =	vst v9  }
0xa1: {  	s23 =	sadd.s32 $0x1, s23;
	v60 =	vadd.f32 v12, v0;
	v10 =	vmul.f32 v59, v0;
	v7 =	vmin.f32 v7, v16;
	[tilespmem:s24+$0x16C10] =	vst v6  }
0xa2: {  	p2 =	sne.s32 s23, $0x8;
	v17 =	vmul.f32 v49, v0;
	v61 =	vmin.f32 v8, v18;
	v62 =	vadd.f32 v19, v0;
	[tilespmem:s24+$0x16C20] =	vst v7  }
.Ltmp6:
0xa3: {  	v3 =	vmin.f32 v3, v14;
	v5 =	vmin.f32 v5, v60;
	v63 =	vadd.f32 v10, v0;
	[tilespmem:s24+$0x16C30] =	vst v61;
	(pc) =	sbr.rel @p2 .LBB2_8-.Ltmp6, $4  }
0xa4: {  	v1 =	vmin.f32 v1, v56;
	v0 =	vadd.f32 v17, v0;
	v3 =	vmin.f32 v3, v62;
	[tilespmem:s24+$0x16C40] =	vst v5  }
0xa5: {  	v2 =	vmin.f32 v2, v42;
	v1 =	vmin.f32 v1, v63;
	[tilespmem:s24+$0x16C50] =	vst v3  }
0xa6: {  	v0 =	vmin.f32 v2, v0;
	[tilespmem:s24+$0x16C60] =	vst v1  }
0xa7: {  	s21 =	sadd.s32 $0x600, s21;
	s22 =	sadd.s32 $0x80, s22;
	[tilespmem:s24+$0x16C70] =	vst v0  }
0xa8: {  	s21 =	simm.s32 @p1 $0x400  }
0xa9: {  	s22 =	simm.s32 @p1 $0x27400;
	s23 =	simm.s32 @p1 $0x0;
	s31 =	sshll.u32 s20, $0xA  }
0xaa: {  	[tilespmem:s23], [sflag:$0x1] =	stream.strided.gather @p1 [hbm4b:s7+s21], $0xC400, s22, s21, $0x38;
	[tilespmem:$0x1AC00] =	vst v63  }
0xab: {  	s21 =	sand.u32 $0x3FFFFC00, s31;
	_ =	swait.ge [sflag:s17], $0xA800  }
0xac: {  	s24 =	simm.s32 $0xC440;
	s21 =	sadd.s32 $0x17000, s21;
	[sflag:s17] =	ssyncset.done $0x0  }
0xad: {  	s22 =	simm.s32 $0x0;
	s23 =	simm.s32 $0x17F10;
	v0 =	vmov s21;
	[sflag:s17] =	ssyncadd.s32 $0xFFFF5800  }
.LBB2_12:
0xae: {  	v1 =	vld [tilespmem:s24+$0x30]  }
0xaf: {  	v2 =	vld [tilespmem:s24+$0xFFFFFFC0];
	_ =	sdelay $0x2  }
0xb0: {  	v3 =	vld [tilespmem:s24+$0xFFFFFFD0]  }
0xb1: {  	v4 =	vld [tilespmem:s24+$0xFFFFFFE0];
	v1 =	vsub.f32 $0.0e+00, v1  }
0xb2: {  	v5 =	vld [tilespmem:s24+$0xFFFFFFF0];
	v2 =	vsub.f32 $0.0e+00, v2  }
0xb3: {  	v6 =	vmul.f32 $1.442695020e+00, v1  }
0xb4: {  	v2 =	vmul.f32 $1.442695020e+00, v2  }
0xb5: {  	v7 =	vld [tilespmem:s24+$0x0];
	v3 =	vsub.f32 $0.0e+00, v3;
	(erf) = vpow2.f32 v6  }
0xb6: {  	s28 =	sadd.s32 $0x400, s24;
	v4 =	vsub.f32 $0.0e+00, v4;
	v6 =	vld [tilespmem:s24+$0x10];
	(erf) = vpow2.f32 v2  }
0xb7: {  	v8 =	vld [tilespmem:s28+$0xFFFFFFD0];
	v5 =	vsub.f32 $0.0e+00, v5;
	v1 =	vmov s23;
	v3 =	vmul.f32 $1.442695020e+00, v3  }
0xb8: {  	v11 =	vld [tilespmem:s28+$0x0];
	v4 =	vmul.f32 $1.442695020e+00, v4  }
0xb9: {  	v13 =	vld [tilespmem:s28+$0x10];
	v5 =	vmul.f32 $1.442695020e+00, v5;
	(erf) = vpow2.f32 v3  }
0xba: {  	v2 =	vld [tilespmem:s24+$0x20];
	(erf) = vpow2.f32 v4;
	v4 =	vsub.f32 $0.0e+00, v7  }
0xbb: {  	s25 =	simm.s32 $0x0;
	v15 =	vld [tilespmem:s28+$0x20];
	(erf) = vpow2.f32 v5;
	v5 =	vsub.f32 $0.0e+00, v6  }
0xbc: {  	v3 =	vld.idx.msk [tilespmem:v1+s25+$0x0 ss:$0x1], $0xffff;
	v4 =	vmul.f32 $1.442695020e+00, v4  }
0xbd: {  	v6 =	vld [tilespmem:s28+$0x30];
	v5 =	vmul.f32 $1.442695020e+00, v5  }
0xbe: {  	v7 =	vld [tilespmem:s28+$0xFFFFFFC0];
	v9 =	vpop (erf);
	(erf) = vpow2.f32 v4  }
0xbf: {  	v8 =	vsub.f32 $0.0e+00, v8;
	v2 =	vsub.f32 $0.0e+00, v2;
	v10 =	vpop (erf);
	(erf) = vpow2.f32 v5;
	v5 =	vld [tilespmem:s28+$0xFFFFFFF0]  }
0xc0: {  	v11 =	vsub.f32 $0.0e+00, v11;
	v13 =	vsub.f32 $0.0e+00, v13;
	v4 =	vld [tilespmem:s28+$0xFFFFFFE0]  }
0xc1: {  	v15 =	vsub.f32 $0.0e+00, v15;
	v8 =	vmul.f32 $1.442695020e+00, v8;
	s25 =	sshll.u32 s22, $0x7;
	v2 =	vmul.f32 $1.442695020e+00, v2  }
0xc2: {  	v18 =	vmul.f32 $1.442695020e+00, v11;
	v13 =	vmul.f32 $1.442695020e+00, v13;
	s26 =	sand.u32 $0x3FFFFF80, s25;
	v6 =	vsub.f32 $0.0e+00, v6  }
0xc3: {  	v15 =	vmul.f32 $1.442695020e+00, v15;
	v16 =	vld [tilespmem:s26+$0x16C70];
	v7 =	vsub.f32 $0.0e+00, v7;
	v9 =	vmul.f32 v9, v3  }
0xc4: {  	s29 =	simm.s32 $0x10;
	(erf) = vpow2.f32 v2;
	v6 =	vmul.f32 $1.442695020e+00, v6;
	v5 =	vsub.f32 $0.0e+00, v5  }
0xc5: {  	v11 =	vld.idx.msk [tilespmem:v1+s29+$0x0 ss:$0x1], $0xffff;
	v7 =	vmul.f32 $1.442695020e+00, v7;
	v10 =	vmul.f32 v10, v3;
	v2 =	vpop (erf);
	v4 =	vsub.f32 $0.0e+00, v4  }
0xc6: {  	v17 =	vld [tilespmem:s26+$0x16C00];
	v9 =	vadd.f32 v9, v3;
	v12 =	vpop (erf);
	(erf) = vpow2.f32 v6;
	v5 =	vmul.f32 $1.442695020e+00, v5  }
0xc7: {  	v14 =	vpop (erf);
	v6 =	vld [tilespmem:s26+$0x16C10];
	(erf) = vpow2.f32 v7;
	v4 =	vmul.f32 $1.442695020e+00, v4  }
0xc8: {  	v2 =	vmul.f32 v2, v3;
	v9 =	vmin.f32 v16, v9;
	v16 =	vld [tilespmem:s26+$0x16C50];
	(erf) = vpow2.f32 v8  }
0xc9: {  	v12 =	vmul.f32 v12, v3;
	v7 =	vld [tilespmem:s26+$0x16C20];
	(erf) = vpow2.f32 v4  }
0xca: {  	v10 =	vadd.f32 v10, v3;
	v14 =	vmul.f32 v14, v3;
	v8 =	vld [tilespmem:s26+$0x16C30];
	(erf) = vpow2.f32 v5;
	v5 =	vpop (erf)  }
0xcb: {  	s28 =	sadd.s32 $0x400, s28;
	v2 =	vadd.f32 v2, v3;
	v4 =	vld [tilespmem:s26+$0x16C40];
	(erf) = vpow2.f32 v18;
	v5 =	vmul.f32 v5, v3  }
0xcc: {  	v19 =	vmin.f32 v17, v10;
	v18 =	vpop (erf);
	(erf) = vpow2.f32 v13;
	v13 =	vadd.f32 v14, v3;
	v14 =	vld [tilespmem:s28+$0x30]  }
0xcd: {  	v17 =	vld [tilespmem:s28+$0xFFFFFFC0];
	v12 =	vadd.f32 v12, v3;
	(erf) = vpow2.f32 v15;
	v15 =	vmul.f32 v18, v3;
	v18 =	vpop (erf)  }
0xce: {  	v6 =	vmin.f32 v6, v2;
	v10 =	vmul.f32 v18, v3;
	v18 =	vld [tilespmem:s28+$0xFFFFFFD0]  }
0xcf: {  	v7 =	vmin.f32 v7, v12;
	v2 =	vadd.f32 v5, v3;
	v8 =	vmin.f32 v8, v13;
	v13 =	vld [tilespmem:s28+$0xFFFFFFE0];
	v5 =	vpop (erf)  }
0xd0: {  	v12 =	vadd.f32 v15, v3;
	v10 =	vadd.f32 v10, v3;
	v15 =	vmul.f32 v5, v11;
	v20 =	vpop (erf)  }
0xd1: {  	v3 =	vld [tilespmem:s28+$0xFFFFFFF0];
	v5 =	vmin.f32 v4, v2;
	v14 =	vsub.f32 $0.0e+00, v14;
	v2 =	vmul.f32 v20, v11;
	v20 =	vpop (erf)  }
0xd2: {  	v17 =	vsub.f32 $0.0e+00, v17;
	v4 =	vmin.f32 v16, v12;
	v12 =	vld [tilespmem:s28+$0x0];
	v16 =	vmul.f32 v20, v11  }
0xd3: {  	v21 =	vld [tilespmem:s28+$0x10];
	v15 =	vadd.f32 v15, v11;
	v20 =	vpop (erf);
	v18 =	vsub.f32 $0.0e+00, v18;
	v14 =	vmul.f32 $1.442695020e+00, v14  }
0xd4: {  	v24 =	vld [tilespmem:s28+$0x20];
	v13 =	vsub.f32 $0.0e+00, v13;
	v22 =	vadd.f32 v2, v11;
	v20 =	vmul.f32 v20, v11;
	v23 =	vpop (erf)  }
0xd5: {  	v2 =	vmin.f32 v9, v15;
	v9 =	vmul.f32 $1.442695020e+00, v17;
	v17 =	vmul.f32 v23, v11  }
0xd6: {  	v15 =	vmul.f32 $1.442695020e+00, v18;
	v3 =	vsub.f32 $0.0e+00, v3;
	(erf) = vpow2.f32 v14  }
0xd7: {  	v13 =	vmul.f32 $1.442695020e+00, v13;
	v12 =	vsub.f32 $0.0e+00, v12;
	(erf) = vpow2.f32 v9  }
0xd8: {  	v3 =	vmul.f32 $1.442695020e+00, v3;
	v9 =	vsub.f32 $0.0e+00, v21;
	(erf) = vpow2.f32 v15  }
0xd9: {  	v14 =	vmul.f32 $1.442695020e+00, v12;
	v15 =	vsub.f32 $0.0e+00, v24;
	(erf) = vpow2.f32 v13  }
0xda: {  	s31 =	simm.s32 $0x20;
	v16 =	vadd.f32 v16, v11;
	v9 =	vmul.f32 $1.442695020e+00, v9;
	(erf) = vpow2.f32 v3  }
0xdb: {  	v17 =	vadd.f32 v17, v11;
	v13 =	vpop (erf);
	v63 =	vmul.f32 $1.442695020e+00, v15;
	v3 =	vld.idx.msk [tilespmem:v1+s31+$0x0 ss:$0x1], $0xffff;
	(erf) = vpow2.f32 v14  }
0xdc: {  	s28 =	sadd.s32 $0x400, s28;
	v12 =	vld [tilespmem:s26+$0x16C60];
	v15 =	vadd.f32 v20, v11;
	v20 =	vpop (erf);
	v18 =	vmul.f32 v13, v11;
	(erf) = vpow2.f32 v9  }
0xdd: {  	s29 =	simm.s32 $0x100;
	s26 =	simm.s32 $0xC0;
	v13 =	vpop (erf);
	v14 =	vld [tilespmem:s28+$0x30];
	v9 =	vmin.f32 v19, v22;
	v19 =	vmul.f32 v20, v11;
	(erf) = vpow2.f32 v63  }
.LBB2_13:
0xde: {  	p2 =	sne.s32 s29, $0xA40;
	v20 =	vld [tilespmem:s28+$0xFFFFFFC0];
	v6 =	vmin.f32 v6, v16;
	v16 =	vadd.f32 v18, v11;
	v13 =	vmul.f32 v13, v11  }
0xdf: {  	v7 =	vmin.f32 v7, v15;
	v8 =	vmin.f32 v8, v17;
	v18 =	vld [tilespmem:s28+$0xFFFFFFD0];
	v21 =	vpop (erf);
	v15 =	vadd.f32 v19, v11  }
0xe0: {  	v17 =	vld [tilespmem:s28+$0xFFFFFFE0];
	v19 =	vmul.f32 v21, v3;
	v21 =	vpop (erf);
	v5 =	vmin.f32 v5, v16;
	v11 =	vadd.f32 v13, v11  }
0xe1: {  	v12 =	vmin.f32 v12, v10;
	v13 =	vld [tilespmem:s28+$0xFFFFFFF0];
	v24 =	vmul.f32 v21, v3;
	v21 =	vpop (erf);
	v4 =	vmin.f32 v4, v15  }
0xe2: {  	v10 =	vld [tilespmem:s28+$0x0];
	v14 =	vsub.f32 $0.0e+00, v14;
	v15 =	vmul.f32 v21, v3;
	v25 =	vadd.f32 v19, v3;
	v21 =	vpop (erf)  }
0xe3: {  	v20 =	vsub.f32 $0.0e+00, v20;
	v22 =	vld [tilespmem:s28+$0x10];
	v23 =	vadd.f32 v24, v3;
	v21 =	vmul.f32 v21, v3;
	v16 =	vpop (erf)  }
0xe4: {  	v18 =	vsub.f32 $0.0e+00, v18;
	v24 =	vld [tilespmem:s28+$0x20];
	v14 =	vmul.f32 $1.442695020e+00, v14;
	v2 =	vmin.f32 v2, v25;
	v19 =	vpop (erf)  }
0xe5: {  	v25 =	vmul.f32 v16, v3;
	v20 =	vmul.f32 $1.442695020e+00, v20;
	v17 =	vsub.f32 $0.0e+00, v17;
	v26 =	vpop (erf)  }
0xe6: {  	v16 =	vmul.f32 $1.442695020e+00, v18;
	v18 =	vsub.f32 $0.0e+00, v13;
	(erf) = vpow2.f32 v14;
	v13 =	vpop (erf)  }
0xe7: {  	v14 =	vmul.f32 $1.442695020e+00, v17;
	v17 =	vsub.f32 $0.0e+00, v10;
	(erf) = vpow2.f32 v20;
	v10 =	vmovc v11;
	v11 =	vmovc v3  }
0xe8: {  	v18 =	vmul.f32 $1.442695020e+00, v18;
	v20 =	vsub.f32 $0.0e+00, v22;
	(erf) = vpow2.f32 v16  }
.Ltmp7:
0xe9: {  	s30 =	sshra.s32 s26, $0x2;
	s26 =	smov.u32 s29;
	v17 =	vmul.f32 $1.442695020e+00, v17;
	v22 =	vsub.f32 $0.0e+00, v24;
	(erf) = vpow2.f32 v14;
	(pc) =	sbr.rel @p2 .LBB2_13-.Ltmp7, $4  }
0xea: {  	v16 =	vadd.f32 v15, v11;
	v3 =	vld.idx.msk [tilespmem:v1+s30+$0x0 ss:$0x1], $0xffff;
	v14 =	vmul.f32 $1.442695020e+00, v20;
	(erf) = vpow2.f32 v18  }
0xeb: {  	v15 =	vadd.f32 v21, v11;
	v20 =	vmul.f32 $1.442695020e+00, v22;
	(erf) = vpow2.f32 v17  }
0xec: {  	s28 =	sadd.s32 $0x400, s28;
	v18 =	vmul.f32 v19, v11;
	v17 =	vadd.f32 v25, v11;
	(erf) = vpow2.f32 v14  }
0xed: {  	s29 =	sadd.s32 $0x40, s29;
	v9 =	vmin.f32 v9, v23;
	v19 =	vmul.f32 v26, v11;
	v14 =	vld [tilespmem:s28+$0x30];
	(erf) = vpow2.f32 v20  }
0xee: {  	v20 =	vld [tilespmem:s28+$0xFFFFFFC0]  }
0xef: {  	v6 =	vmin.f32 v6, v16;
	v56 =	vld [tilespmem:s28+$0xFFFFFFD0]  }
0xf0: {  	v18 =	vadd.f32 v18, v11;
	v13 =	vmul.f32 v13, v11;
	v7 =	vmin.f32 v7, v15;
	v57 =	vld [tilespmem:s28+$0xFFFFFFE0]  }
0xf1: {  	v8 =	vmin.f32 v8, v17;
	v60 =	vld [tilespmem:s28+$0xFFFFFFF0];
	v10 =	vmin.f32 v12, v10;
	v21 =	vpop (erf);
	v58 =	vadd.f32 v19, v11  }
0xf2: {  	v62 =	vld [tilespmem:s28+$0x0];
	v59 =	vmul.f32 v21, v3;
	v22 =	vpop (erf);
	v5 =	vmin.f32 v5, v18;
	v14 =	vsub.f32 $0.0e+00, v14  }
0xf3: {  	v29 =	vld [tilespmem:s28+$0x10];
	v61 =	vadd.f32 v13, v11;
	v63 =	vmul.f32 v22, v3;
	v28 =	vsub.f32 $0.0e+00, v20  }
0xf4: {  	v27 =	vpop (erf);
	v4 =	vmin.f32 v4, v58;
	v16 =	vsub.f32 $0.0e+00, v56;
	v14 =	vmul.f32 $1.442695020e+00, v14  }
0xf5: {  	v24 =	vld [tilespmem:s28+$0x20];
	v22 =	vmul.f32 v27, v3;
	v15 =	vsub.f32 $0.0e+00, v57;
	v17 =	vmul.f32 $1.442695020e+00, v28  }
0xf6: {  	v23 =	vpop (erf);
	v21 =	vsub.f32 $0.0e+00, v60;
	v16 =	vmul.f32 $1.442695020e+00, v16;
	(erf) = vpow2.f32 v14  }
0xf7: {  	v13 =	vsub.f32 $0.0e+00, v62;
	v30 =	vmul.f32 $1.442695020e+00, v15;
	(erf) = vpow2.f32 v17  }
0xf8: {  	v32 =	vsub.f32 $0.0e+00, v29;
	v31 =	vmul.f32 $1.442695020e+00, v21;
	(erf) = vpow2.f32 v16  }
0xf9: {  	v37 =	vadd.f32 v59, v3;
	v33 =	vmul.f32 $1.442695020e+00, v13;
	(erf) = vpow2.f32 v30  }
0xfa: {  	v34 =	vpop (erf);
	v35 =	vsub.f32 $0.0e+00, v24;
	v36 =	vmul.f32 $1.442695020e+00, v32;
	(erf) = vpow2.f32 v31  }
0xfb: {  	v10 =	vmin.f32 v10, v61;
	v23 =	vmul.f32 v23, v3;
	(erf) = vpow2.f32 v33  }
0xfc: {  	s26 =	sshra.s32 s26, $0x2;
	v38 =	vadd.f32 v63, v3;
	v39 =	vpop (erf);
	v14 =	vmul.f32 $1.442695020e+00, v35;
	(erf) = vpow2.f32 v36  }
0xfd: {  	v1 =	vld.idx.msk [tilespmem:v1+s26+$0x0 ss:$0x1], $0xffff;
	v41 =	vadd.f32 v22, v3;
	v13 =	vmul.f32 v34, v3;
	v40 =	vpop (erf);
	v17 =	vmul.f32 v39, v3  }
0xfe: {  	v42 =	vadd.f32 v23, v3;
	v9 =	vmin.f32 v9, v38;
	v43 =	vpop (erf);
	(erf) = vpow2.f32 v14  }
0xff: {  	v44 =	vmul.f32 v40, v3;
	v13 =	vadd.f32 v13, v3;
	v45 =	vadd.f32 v17, v3;
	v46 =	vpop (erf)  }
0x100: {  	v6 =	vmin.f32 v6, v41;
	v47 =	vmul.f32 v43, v3;
	v7 =	vmin.f32 v7, v42;
	v48 =	vpop (erf)  }
0x101: {  	v8 =	vmin.f32 v8, v13;
	v5 =	vmin.f32 v5, v45;
	v14 =	vadd.f32 v44, v3;
	v50 =	vpop (erf)  }
0x102: {  	v3 =	vadd.f32 v47, v3;
	v49 =	vmul.f32 v46, v1;
	v51 =	vmul.f32 v48, v1;
	v52 =	vpop (erf)  }
0x103: {  	v4 =	vmin.f32 v4, v14;
	v53 =	vmul.f32 v50, v1;
	v54 =	vmul.f32 v52, v1;
	v55 =	vpop (erf)  }
0x104: {  	v13 =	vadd.f32 v49, v1;
	v16 =	vadd.f32 v51, v1;
	v56 =	vpop (erf);
	v14 =	vmul.f32 v55, v1  }
0x105: {  	v11 =	vadd.f32 v53, v1;
	v57 =	vpop (erf);
	v12 =	vadd.f32 v54, v1;
	v17 =	vmul.f32 v56, v1  }
0x106: {  	v9 =	vmin.f32 v9, v16;
	v14 =	vadd.f32 v14, v1;
	v58 =	vmul.f32 v57, v1  }
0x107: {  	v59 =	vpop (erf);
	v6 =	vmin.f32 v6, v11;
	(erf) = vrcp.f32 v9;
	v60 =	vadd.f32 v17, v1  }
0x108: {  	v61 =	vmul.f32 v59, v1;
	v7 =	vmin.f32 v7, v12;
	(erf) = vrcp.f32 v6  }
0x109: {  	v62 =	vmin.f32 v8, v14;
	v63 =	vadd.f32 v58, v1;
	(erf) = vrcp.f32 v7  }
0x10a: {  	v5 =	vmin.f32 v5, v60;
	v1 =	vadd.f32 v61, v1;
	(erf) = vrcp.f32 v62  }
0x10b: {  	v3 =	vmin.f32 v10, v3;
	v4 =	vmin.f32 v4, v63;
	(erf) = vrcp.f32 v5  }
0x10c: {  	v2 =	vmin.f32 v2, v37;
	v1 =	vmin.f32 v3, v1;
	(erf) = vrcp.f32 v4  }
0x10d: {  	v2 =	vmin.f32 v2, v13;
	(erf) = vrcp.f32 v1  }
0x10e: {  	(erf) = vrcp.f32 v2;
	_ =	sdelay $0x1  }
0x10f: {  	v1 =	vpop (erf)  }
0x110: {  	[tilespmem:v0+s25+$0x0 ss:$0x1] =	vst.idx.msk $0xffff, v1;
	v1 =	vpop (erf)  }
0x111: {  	s22 =	sadd.s32 $0x1, s22;
	[tilespmem:v0+s25+$0x10 ss:$0x1] =	vst.idx.msk $0xffff, v1;
	v1 =	vpop (erf)  }
0x112: {  	p2 =	sne.s32 s22, $0x8;
	[tilespmem:v0+s25+$0x20 ss:$0x1] =	vst.idx.msk $0xffff, v1;
	v1 =	vpop (erf)  }
.Ltmp8:
0x113: {  	[tilespmem:v0+s25+$0x30 ss:$0x1] =	vst.idx.msk $0xffff, v1;
	v1 =	vpop (erf);
	(pc) =	sbr.rel @p2 .LBB2_12-.Ltmp8, $4  }
0x114: {  	[tilespmem:v0+s25+$0x40 ss:$0x1] =	vst.idx.msk $0xffff, v1;
	v1 =	vpop (erf)  }
0x115: {  	[tilespmem:v0+s25+$0x50 ss:$0x1] =	vst.idx.msk $0xffff, v1;
	v1 =	vpop (erf)  }
0x116: {  	[tilespmem:v0+s25+$0x60 ss:$0x1] =	vst.idx.msk $0xffff, v1;
	v1 =	vpop (erf)  }
0x117: {  	s23 =	sadd.s32 $0x600, s23;
	s24 =	sadd.s32 $0x80, s24;
	[tilespmem:v0+s25+$0x70 ss:$0x1] =	vst.idx.msk $0xffff, v1  }
.Ltmp9:
0x118: {  	(pc) =	sbr.rel @p1 .LBB2_7-.Ltmp9, $4  }
0x119: {  	s20 =	sshll.u32 s20, $0x7  }
0x11a: {  	s20 =	sadd.s32 s20, s8  }
0x11b: {  	[hbm4b:s20+s3] =	stream.linear.scatter [tilespmem:s21], [sflag:$0x3], $0x400, $0x38;
	[tilespmem:$0x1AC00] =	vst v63  }
0x11c: {  	p2 =	por $0x0, $0x0;
	s20 =	simm.s32 $0x1;
	s21 =	smov.u32 s9  }
0x11d: {  	_ =	swait.ge [sflag:s18], $0x400  }
.Ltmp10:
0x11e: {  	[sflag:s18] =	ssyncset.done $0x0;
	(pc) =	sbr.rel .LBB2_17-.Ltmp10, $4  }
0x11f: {  	[sflag:s18] =	ssyncadd.s32 $0xFFFFFC00  }
0x120: {  	_ =	swait.ge [sflag:s18], $0x400  }
0x121: {  	[sflag:s18] =	ssyncset.done $0x0  }
0x122: {  	[sflag:s18] =	ssyncadd.s32 $0xFFFFFC00  }
.LBB2_18:
0x123: {  	_ =	sfence.sel $0x180000  }
0x124: {  	[bflag:$0x0] =	sbarrier.arrive $0xFFFF  }
0x125: {  	p0 =	sne.s32 s2, $0x0;
	_ =	strace $0x90000047  }
0x126: {  	s0 =	sadd.s32 @!p0 $0x100000, s0;
	[bflag:$0x2] =	sbarrier.arrive $0xFFFF  }
0x127: {  	[sflag:s0] =	ssyncadd.tile.s32 @!p0 $0x1;
	_ =	shalt  }
.Lfunc_end2:
_tile_overlayer_lowered:
.L_overlay_start_2:
0x128: {  	(tag) =	ssettag $0x2  }
0x129: {  	s0 =	rddreg [dreg:$0x0];
	s2 =	stileid.u32  }
0x12a: {  	s1 =	rddreg [dreg:$0x1];
	p0 =	sne.s32 s2, $0x0  }
0x12b: {  	s3 =	rddreg [dreg:$0x2];
	[bflag:$0x3] =	sbarrier.arrive $0xFFFF;
	s2 =	simm.s32 @!p0 $0x1C04  }
0x12c: {  	[timem:s3], [sflag:s2] =	dma.local @!p0 [hbm:s0], s1  }
0x12d: {  	s0 =	simm.s32 @!p0 $0x4  }
0x12e: {  	_ =	swait.ge @!p0 [sflag:s0], s1  }
0x12f: {  	s1 =	ssub.s32 @!p0 $0x0, s1;
	[sflag:s0] =	ssyncset.done @!p0 $0x0  }
0x130: {  	[sflag:s0] =	ssyncadd.s32 @!p0 s1  }
0x131: {  	[bflag:$0x3] =	sbarrier.arrive $0xFFFF  }
0x132: {  	_ =	shalt  }

</sc_bundles>
